<compile_context>
chip_gen: v7x
topology: tpu7x:2x2x1
jax: 0.10.2.dev20260603
libtpu: 0.0.44.dev20260713+nightly
codegen_flags: <defaults>
</compile_context>

<pallas_src>
import functools

import jax
import jax.numpy as jnp
from jax import lax
from jax.experimental import pallas as pl
from jax.experimental.pallas import tpu as pltpu
from jax.experimental.pallas import tpu_sc as plsc

_NC = 2
_NS = 16
_NW = _NC * _NS
_NBUF = 8
_G = 16


def kernel(weight, input):
    V, D = weight.shape
    (B,) = input.shape
    wT = weight.T
    b_per_w = B // _NW
    n_groups = b_per_w // _G
    mesh = plsc.VectorSubcoreMesh(core_axis_name="c", subcore_axis_name="s")

    @functools.partial(
        pl.kernel,
        mesh=mesh,
        out_type=jax.ShapeDtypeStruct((D, B), jnp.float32),
        scratch_types=[
            pltpu.VMEM((b_per_w + _G,), jnp.int32),
        ]
        + [pltpu.VMEM((D, 128), jnp.float32) for _ in range(_NBUF)]
        + [
            pltpu.VMEM((4, 8, b_per_w), jnp.float32),
        ]
        + [pltpu.SemaphoreType.DMA for _ in range(_NBUF)],
        compiler_params=pltpu.CompilerParams(needs_layout_passes=False),
    )
    def _gather(tableT_hbm, idx_hbm, outT_hbm, idx_v, *rest):
        bufs = list(rest[:_NBUF])
        acc = rest[_NBUF]
        sems = list(rest[_NBUF + 1:])
        wid = lax.axis_index("s") * _NC + lax.axis_index("c")
        base = wid * b_per_w
        pltpu.sync_copy(idx_hbm.at[pl.ds(base, b_per_w)],
                        idx_v.at[pl.ds(0, b_per_w)])

        lane = lax.iota(jnp.int32, 16)
        s_lo = lane // 8
        dd = lane % 8

        def extract(vec, k):
            return jnp.max(jnp.where(lane == k, vec, 0))

        def fire(r, j):
            off = pl.multiple_of((r >> 7) << 7, 128)
            pltpu.async_copy(
                tableT_hbm.at[:, pl.ds(off, 128)], bufs[j], sems[j]
            )

        def drain(j):
            pltpu.make_async_copy(
                tableT_hbm.at[:, pl.ds(0, 128)], bufs[j], sems[j]
            ).wait()

        def gather(rr16, p16, j):
            for h in range(2):
                col = plsc.load_gather(bufs[j], [lane + 16 * h, rr16])
                plsc.store_scatter(acc, [s_lo + 2 * h, dd, p16], col)

        _AHEAD = _NBUF - 1
        vec0 = idx_v[pl.ds(0, _G)]
        for k in range(_AHEAD):
            fire(extract(vec0, k), k % _NBUF)

        def body(g, carry):
            i0 = g * _G
            vec = idx_v[pl.ds(i0, _G)]
            rs = [extract(vec, k) for k in range(_G)]
            vecn = idx_v[pl.ds(i0 + _G, _G)]
            live = (g + 1) < n_groups
            rn = [
                jnp.where(live, extract(vecn, k), 0)
                for k in range(_AHEAD)
            ]
            for k in range(_G):
                ka = k + _AHEAD
                r_ahead = rs[ka] if ka < _G else rn[ka - _G]
                fire(r_ahead, ka % _NBUF)
                drain(k % _NBUF)
                rr16 = jnp.full((16,), rs[k] & 127, jnp.int32)
                p16 = jnp.full((16,), i0 + k, jnp.int32)
                gather(rr16, p16, k % _NBUF)
            return carry

        lax.fori_loop(0, n_groups, body, 0)
        for j in range(_AHEAD):
            drain((b_per_w + j) % _NBUF)
        for s in range(4):
            pltpu.sync_copy(
                acc.at[s],
                outT_hbm.at[pl.ds(8 * s, 8), pl.ds(base, b_per_w)],
            )

    outT = _gather(wT, input)
    return outT.T

# --- scband reference (transcript-rebuilt; emitter-appended) ---
"""Pipeline reference for scband-remote-em-12180527251869 (READ-ONLY COPY).

The authoritative reference and input builder live on the scoring server;
editing this copy changes nothing except your own understanding.
"""

import jax, jax.numpy as jnp
import numpy as np

NUM_EMBEDDINGS = 1000000
EMBEDDING_DIM = 32
BATCH = 16384


def setup_inputs(seed: int = 0) -> dict:
    key = jax.random.key(seed)
    k_idx, _ = jax.random.split(key)
    inputs = jax.random.randint(k_idx, (BATCH,), 0, NUM_EMBEDDINGS, dtype=jnp.int64 if jax.config.jax_enable_x64 else jnp.int32).astype(jnp.int32)
    # RemoteEM initializes the EmbeddingBag weight to a constant 0.5 table
    weight = jnp.full((NUM_EMBEDDINGS, EMBEDDING_DIM), 0.5, dtype=jnp.float32)
    return {"weight": weight, "input": inputs}


def reference(weight, input):
    # torch.nn.EmbeddingBag(input_1d, offsets=arange(B)) -> bags of size 1.
    # Default mode is 'mean'; mean over a single element is the element itself,
    # so the forward reduces to a plain row gather: table[input].
    out = jnp.take(weight, input, axis=0)
    return out

if __name__ == "__main__":
    import jax
    _d = setup_inputs()
    print(jax.jit(kernel)(*tuple(_d.values())))

</pallas_src>

<mosaic_0001>
#map = affine_map<(d0, d1) -> (0, 0)>
#map1 = affine_map<(d0, d1) -> (0)>
module attributes {stable_mosaic.version = 14 : i64} {
  func.func @_gather(%arg0: i32, %arg1: i32, %arg2: memref<32x1000000xf32, #tpu.memory_space<hbm>>, %arg3: memref<16384xi32, #tpu.memory_space<hbm>>, %arg4: memref<32x16384xf32, #tpu.memory_space<hbm>>, %arg5: memref<528xi32, #tpu.memory_space<vmem>>, %arg6: memref<32x128xf32, #tpu.memory_space<vmem>>, %arg7: memref<32x128xf32, #tpu.memory_space<vmem>>, %arg8: memref<32x128xf32, #tpu.memory_space<vmem>>, %arg9: memref<32x128xf32, #tpu.memory_space<vmem>>, %arg10: memref<32x128xf32, #tpu.memory_space<vmem>>, %arg11: memref<32x128xf32, #tpu.memory_space<vmem>>, %arg12: memref<32x128xf32, #tpu.memory_space<vmem>>, %arg13: memref<32x128xf32, #tpu.memory_space<vmem>>, %arg14: memref<4x8x512xf32, #tpu.memory_space<vmem>>, %arg15: memref<!tpu.dma_semaphore, #tpu.memory_space<semaphore_mem>>, %arg16: memref<!tpu.dma_semaphore, #tpu.memory_space<semaphore_mem>>, %arg17: memref<!tpu.dma_semaphore, #tpu.memory_space<semaphore_mem>>, %arg18: memref<!tpu.dma_semaphore, #tpu.memory_space<semaphore_mem>>, %arg19: memref<!tpu.dma_semaphore, #tpu.memory_space<semaphore_mem>>, %arg20: memref<!tpu.dma_semaphore, #tpu.memory_space<semaphore_mem>>, %arg21: memref<!tpu.dma_semaphore, #tpu.memory_space<semaphore_mem>>, %arg22: memref<!tpu.dma_semaphore, #tpu.memory_space<semaphore_mem>>) attributes {dimension_semantics = [#tpu.dimension_semantics<core_parallel>, #tpu.dimension_semantics<subcore_parallel>], iteration_bounds = array<i64: 2, 16>, scalar_prefetch = 0 : i64, scratch_operands = 18 : i64, tpu.core_type = #tpu.core_type<sc_vector_subcore>, window_params = [{transform_indices = #map}, {transform_indices = #map1}, {transform_indices = #map}]} {
    %mul3A = arith.constant 2 : i32
    %mul3A_0 = arith.muli %arg1, %mul3A : i32
    %add3A = arith.addi %mul3A_0, %arg0 : i32
    %mul3A_1 = arith.constant 512 : i32
    %mul3A_2 = arith.muli %add3A, %mul3A_1 : i32
    "tpu.region"() ({
      %run_scoped3A_251 = tpu.sem_alloc : memref<!tpu.dma_semaphore, #tpu.memory_space<semaphore_mem>>
      %dma_start3A_252 = arith.constant 0 : i32
      %dma_start3A_253 = tpu.memref_slice %arg5[%dma_start3A_252] : memref<528xi32, #tpu.memory_space<vmem>> -> memref<512xi32, #tpu.memory_space<vmem>>
      %dma_start3A_254 = tpu.memref_slice %arg3[%mul3A_2] : memref<16384xi32, #tpu.memory_space<hbm>> -> memref<512xi32, #tpu.memory_space<hbm>>
      %dma_start3A_255 = arith.constant 0 : i32
      %dma_start3A_256 = tpu.memref_slice %arg5[%dma_start3A_255] : memref<528xi32, #tpu.memory_space<vmem>> -> memref<512xi32, #tpu.memory_space<vmem>>
      %dma_start3A_257 = tpu.memref_slice %arg3[%mul3A_2] : memref<16384xi32, #tpu.memory_space<hbm>> -> memref<512xi32, #tpu.memory_space<hbm>>
      tpu.enqueue_dma source(%dma_start3A_257 : memref<512xi32, #tpu.memory_space<hbm>>) target(%dma_start3A_256 : memref<512xi32, #tpu.memory_space<vmem>>) target_semaphore(%run_scoped3A_251 : memref<!tpu.dma_semaphore, #tpu.memory_space<semaphore_mem>>)
      %dma_wait3A_258 = arith.constant 0 : i32
      %dma_wait3A_259 = tpu.memref_slice %arg5[%dma_wait3A_258] : memref<528xi32, #tpu.memory_space<vmem>> -> memref<512xi32, #tpu.memory_space<vmem>>
      %dma_wait3A_260 = tpu.memref_slice %arg3[%mul3A_2] : memref<16384xi32, #tpu.memory_space<hbm>> -> memref<512xi32, #tpu.memory_space<hbm>>
      %dma_wait3A_261 = arith.constant 0 : i32
      %dma_wait3A_262 = tpu.memref_slice %arg5[%dma_wait3A_261] : memref<528xi32, #tpu.memory_space<vmem>> -> memref<512xi32, #tpu.memory_space<vmem>>
      %dma_wait3A_263 = tpu.memref_slice %arg3[%mul3A_2] : memref<16384xi32, #tpu.memory_space<hbm>> -> memref<512xi32, #tpu.memory_space<hbm>>
      tpu.wait_dma2 semaphore(%run_scoped3A_251 : memref<!tpu.dma_semaphore, #tpu.memory_space<semaphore_mem>>) src(%dma_wait3A_263 : memref<512xi32, #tpu.memory_space<hbm>>) dst(%dma_wait3A_262 : memref<512xi32, #tpu.memory_space<vmem>>)
      tpu.yield
    }) : () -> ()
    %iota3A = tpu.iota {dimensions = array<i32: 0>} : vector<16xi32>
    %jit3A = arith.constant 8 : i32
    %div3A = vector.broadcast %jit3A : i32 to vector<16xi32>
    %div3A_3 = arith.divsi %iota3A, %div3A : vector<16xi32>
    %sign3A = arith.constant 0 : i32
    %sign3A_4 = vector.broadcast %sign3A : i32 to vector<16xi32>
    %sign3A_5 = arith.cmpi sgt, %iota3A, %sign3A_4 : vector<16xi32>
    %sign3A_6 = arith.extui %sign3A_5 : vector<16xi1> to vector<16xi32>
    %sign3A_7 = arith.constant 0 : i32
    %sign3A_8 = vector.broadcast %sign3A_7 : i32 to vector<16xi32>
    %sign3A_9 = arith.cmpi slt, %iota3A, %sign3A_8 : vector<16xi32>
    %sign3A_10 = arith.extui %sign3A_9 : vector<16xi1> to vector<16xi32>
    %sign3A_11 = arith.subi %sign3A_6, %sign3A_10 : vector<16xi32>
    %sign3A_12 = arith.constant 0 : i32
    %sign3A_13 = arith.cmpi sgt, %jit3A, %sign3A_12 : i32
    %sign3A_14 = arith.extui %sign3A_13 : i1 to i32
    %sign3A_15 = arith.constant 0 : i32
    %sign3A_16 = arith.cmpi slt, %jit3A, %sign3A_15 : i32
    %sign3A_17 = arith.extui %sign3A_16 : i1 to i32
    %sign3A_18 = arith.subi %sign3A_14, %sign3A_17 : i32
    %ne3A = vector.broadcast %sign3A_18 : i32 to vector<16xi32>
    %ne3A_19 = arith.cmpi ne, %sign3A_11, %ne3A : vector<16xi32>
    %rem3A = vector.broadcast %jit3A : i32 to vector<16xi32>
    %rem3A_20 = arith.remsi %iota3A, %rem3A : vector<16xi32>
    %ne3A_21 = arith.constant 0 : i32
    %ne3A_22 = vector.broadcast %ne3A_21 : i32 to vector<16xi32>
    %ne3A_23 = arith.cmpi ne, %rem3A_20, %ne3A_22 : vector<16xi32>
    %and3A = arith.andi %ne3A_19, %ne3A_23 : vector<16xi1>
    %sub3A = arith.constant 1 : i32
    %sub3A_24 = vector.broadcast %sub3A : i32 to vector<16xi32>
    %sub3A_25 = arith.subi %div3A_3, %sub3A_24 : vector<16xi32>
    %select_n3A = arith.select %and3A, %sub3A_25, %div3A_3 : vector<16xi1>, vector<16xi32>
    %jit3A_26 = arith.constant 8 : i32
    %eq3A = arith.constant 0 : i32
    %eq3A_27 = arith.cmpi eq, %jit3A_26, %eq3A : i32
    %jit3A_28 = arith.constant 1 : i32
    %select_n3A_29 = arith.select %eq3A_27, %jit3A_28, %jit3A_26 : i32
    %rem3A_30 = vector.broadcast %select_n3A_29 : i32 to vector<16xi32>
    %rem3A_31 = arith.remsi %iota3A, %rem3A_30 : vector<16xi32>
    %ne3A_32 = arith.constant 0 : i32
    %ne3A_33 = vector.broadcast %ne3A_32 : i32 to vector<16xi32>
    %ne3A_34 = arith.cmpi ne, %rem3A_31, %ne3A_33 : vector<16xi32>
    %lt3A = arith.constant 0 : i32
    %lt3A_35 = vector.broadcast %lt3A : i32 to vector<16xi32>
    %lt3A_36 = arith.cmpi slt, %rem3A_31, %lt3A_35 : vector<16xi32>
    %lt3A_37 = arith.constant 0 : i32
    %lt3A_38 = arith.cmpi slt, %select_n3A_29, %lt3A_37 : i32
    %ne3A_39 = vector.broadcast %lt3A_38 : i1 to vector<16xi1>
    %ne3A_40 = vector.broadcast %ne3A_39 : vector<16xi1> to vector<16xi1>
    %ne3A_41 = arith.xori %lt3A_36, %ne3A_40 : vector<16xi1>
    %and3A_42 = arith.andi %ne3A_41, %ne3A_34 : vector<16xi1>
    %add3A_43 = vector.broadcast %select_n3A_29 : i32 to vector<16xi32>
    %add3A_44 = arith.addi %rem3A_31, %add3A_43 : vector<16xi32>
    %select_n3A_45 = arith.select %and3A_42, %add3A_44, %rem3A_31 : vector<16xi1>, vector<16xi32>
    %get3A = arith.constant 0 : index
    %get3A_46 = tpu.vector_load %arg5[%get3A] {strides = array<i32>} : memref<528xi32, #tpu.memory_space<vmem>>, vector<16xi32>,
    %eq3A_47 = arith.constant 0 : i32
    %eq3A_48 = vector.broadcast %eq3A_47 : i32 to vector<16xi32>
    %eq3A_49 = arith.cmpi eq, %iota3A, %eq3A_48 : vector<16xi32>
    %jit3A_50 = arith.constant 0 : i32
    %broadcast_in_dim3A = vector.broadcast %jit3A_50 : i32 to vector<16xi32>
    %select_n3A_51 = arith.select %eq3A_49, %get3A_46, %broadcast_in_dim3A : vector<16xi1>, vector<16xi32>
    %reduce_max3A = arith.constant true
    %reduce_max3A_52 = vector.broadcast %reduce_max3A : i1 to vector<16xi1>
    %reduce_max3A_53 = arith.constant -2147483648 : i32
    %reduce_max3A_54 = vector.broadcast %reduce_max3A_53 : i32 to vector<16xi32>
    %reduce_max3A_55 = arith.xori %select_n3A_51, %reduce_max3A_54 : vector<16xi32>
    %reduce_max3A_56 = tpu.scan <max>, %reduce_max3A_55 masked %reduce_max3A_52 : vector<16xi32>, vector<16xi1> -> vector<16xi32>
    %reduce_max3A_57 = arith.xori %reduce_max3A_56, %reduce_max3A_54 : vector<16xi32>
    %reduce_max3A_58 = vector.extract %reduce_max3A_57[15] : i32 from vector<16xi32>
    %shift_right_arithmetic3A = arith.constant 7 : i32
    %shift_right_arithmetic3A_59 = arith.shrsi %reduce_max3A_58, %shift_right_arithmetic3A : i32
    %shift_left3A = arith.constant 7 : i32
    %shift_left3A_60 = arith.shli %shift_right_arithmetic3A_59, %shift_left3A : i32
    %multiple_of3A = tpu.assume_multiple %shift_left3A_60, 128 : i32
    %dma_start3A = arith.constant 0 : i32
    %dma_start3A_61 = tpu.memref_slice %arg2[%dma_start3A, %multiple_of3A] : memref<32x1000000xf32, #tpu.memory_space<hbm>> -> memref<32x128xf32, #tpu.memory_space<hbm>>
    %dma_start3A_62 = arith.constant 0 : i32
    %dma_start3A_63 = tpu.memref_slice %arg2[%dma_start3A_62, %multiple_of3A] : memref<32x1000000xf32, #tpu.memory_space<hbm>> -> memref<32x128xf32, #tpu.memory_space<hbm>>
    tpu.enqueue_dma source(%dma_start3A_63 : memref<32x128xf32, #tpu.memory_space<hbm>>) target(%arg6 : memref<32x128xf32, #tpu.memory_space<vmem>>) target_semaphore(%arg15 : memref<!tpu.dma_semaphore, #tpu.memory_space<semaphore_mem>>)
    %eq3A_64 = arith.constant 1 : i32
    %eq3A_65 = vector.broadcast %eq3A_64 : i32 to vector<16xi32>
    %eq3A_66 = arith.cmpi eq, %iota3A, %eq3A_65 : vector<16xi32>
    %jit3A_67 = arith.constant 0 : i32
    %broadcast_in_dim3A_68 = vector.broadcast %jit3A_67 : i32 to vector<16xi32>
    %select_n3A_69 = arith.select %eq3A_66, %get3A_46, %broadcast_in_dim3A_68 : vector<16xi1>, vector<16xi32>
    %reduce_max3A_70 = arith.constant true
    %reduce_max3A_71 = vector.broadcast %reduce_max3A_70 : i1 to vector<16xi1>
    %reduce_max3A_72 = arith.constant -2147483648 : i32
    %reduce_max3A_73 = vector.broadcast %reduce_max3A_72 : i32 to vector<16xi32>
    %reduce_max3A_74 = arith.xori %select_n3A_69, %reduce_max3A_73 : vector<16xi32>
    %reduce_max3A_75 = tpu.scan <max>, %reduce_max3A_74 masked %reduce_max3A_71 : vector<16xi32>, vector<16xi1> -> vector<16xi32>
    %reduce_max3A_76 = arith.xori %reduce_max3A_75, %reduce_max3A_73 : vector<16xi32>
    %reduce_max3A_77 = vector.extract %reduce_max3A_76[15] : i32 from vector<16xi32>
    %shift_right_arithmetic3A_78 = arith.constant 7 : i32
    %shift_right_arithmetic3A_79 = arith.shrsi %reduce_max3A_77, %shift_right_arithmetic3A_78 : i32
    %shift_left3A_80 = arith.constant 7 : i32
    %shift_left3A_81 = arith.shli %shift_right_arithmetic3A_79, %shift_left3A_80 : i32
    %multiple_of3A_82 = tpu.assume_multiple %shift_left3A_81, 128 : i32
    %dma_start3A_83 = arith.constant 0 : i32
    %dma_start3A_84 = tpu.memref_slice %arg2[%dma_start3A_83, %multiple_of3A_82] : memref<32x1000000xf32, #tpu.memory_space<hbm>> -> memref<32x128xf32, #tpu.memory_space<hbm>>
    %dma_start3A_85 = arith.constant 0 : i32
    %dma_start3A_86 = tpu.memref_slice %arg2[%dma_start3A_85, %multiple_of3A_82] : memref<32x1000000xf32, #tpu.memory_space<hbm>> -> memref<32x128xf32, #tpu.memory_space<hbm>>
    tpu.enqueue_dma source(%dma_start3A_86 : memref<32x128xf32, #tpu.memory_space<hbm>>) target(%arg7 : memref<32x128xf32, #tpu.memory_space<vmem>>) target_semaphore(%arg16 : memref<!tpu.dma_semaphore, #tpu.memory_space<semaphore_mem>>)
    %eq3A_87 = arith.constant 2 : i32
    %eq3A_88 = vector.broadcast %eq3A_87 : i32 to vector<16xi32>
    %eq3A_89 = arith.cmpi eq, %iota3A, %eq3A_88 : vector<16xi32>
    %jit3A_90 = arith.constant 0 : i32
    %broadcast_in_dim3A_91 = vector.broadcast %jit3A_90 : i32 to vector<16xi32>
    %select_n3A_92 = arith.select %eq3A_89, %get3A_46, %broadcast_in_dim3A_91 : vector<16xi1>, vector<16xi32>
    %reduce_max3A_93 = arith.constant true
    %reduce_max3A_94 = vector.broadcast %reduce_max3A_93 : i1 to vector<16xi1>
    %reduce_max3A_95 = arith.constant -2147483648 : i32
    %reduce_max3A_96 = vector.broadcast %reduce_max3A_95 : i32 to vector<16xi32>
    %reduce_max3A_97 = arith.xori %select_n3A_92, %reduce_max3A_96 : vector<16xi32>
    %reduce_max3A_98 = tpu.scan <max>, %reduce_max3A_97 masked %reduce_max3A_94 : vector<16xi32>, vector<16xi1> -> vector<16xi32>
    %reduce_max3A_99 = arith.xori %reduce_max3A_98, %reduce_max3A_96 : vector<16xi32>
    %reduce_max3A_100 = vector.extract %reduce_max3A_99[15] : i32 from vector<16xi32>
    %shift_right_arithmetic3A_101 = arith.constant 7 : i32
    %shift_right_arithmetic3A_102 = arith.shrsi %reduce_max3A_100, %shift_right_arithmetic3A_101 : i32
    %shift_left3A_103 = arith.constant 7 : i32
    %shift_left3A_104 = arith.shli %shift_right_arithmetic3A_102, %shift_left3A_103 : i32
    %multiple_of3A_105 = tpu.assume_multiple %shift_left3A_104, 128 : i32
    %dma_start3A_106 = arith.constant 0 : i32
    %dma_start3A_107 = tpu.memref_slice %arg2[%dma_start3A_106, %multiple_of3A_105] : memref<32x1000000xf32, #tpu.memory_space<hbm>> -> memref<32x128xf32, #tpu.memory_space<hbm>>
    %dma_start3A_108 = arith.constant 0 : i32
    %dma_start3A_109 = tpu.memref_slice %arg2[%dma_start3A_108, %multiple_of3A_105] : memref<32x1000000xf32, #tpu.memory_space<hbm>> -> memref<32x128xf32, #tpu.memory_space<hbm>>
    tpu.enqueue_dma source(%dma_start3A_109 : memref<32x128xf32, #tpu.memory_space<hbm>>) target(%arg8 : memref<32x128xf32, #tpu.memory_space<vmem>>) target_semaphore(%arg17 : memref<!tpu.dma_semaphore, #tpu.memory_space<semaphore_mem>>)
    %eq3A_110 = arith.constant 3 : i32
    %eq3A_111 = vector.broadcast %eq3A_110 : i32 to vector<16xi32>
    %eq3A_112 = arith.cmpi eq, %iota3A, %eq3A_111 : vector<16xi32>
    %jit3A_113 = arith.constant 0 : i32
    %broadcast_in_dim3A_114 = vector.broadcast %jit3A_113 : i32 to vector<16xi32>
    %select_n3A_115 = arith.select %eq3A_112, %get3A_46, %broadcast_in_dim3A_114 : vector<16xi1>, vector<16xi32>
    %reduce_max3A_116 = arith.constant true
    %reduce_max3A_117 = vector.broadcast %reduce_max3A_116 : i1 to vector<16xi1>
    %reduce_max3A_118 = arith.constant -2147483648 : i32
    %reduce_max3A_119 = vector.broadcast %reduce_max3A_118 : i32 to vector<16xi32>
    %reduce_max3A_120 = arith.xori %select_n3A_115, %reduce_max3A_119 : vector<16xi32>
    %reduce_max3A_121 = tpu.scan <max>, %reduce_max3A_120 masked %reduce_max3A_117 : vector<16xi32>, vector<16xi1> -> vector<16xi32>
    %reduce_max3A_122 = arith.xori %reduce_max3A_121, %reduce_max3A_119 : vector<16xi32>
    %reduce_max3A_123 = vector.extract %reduce_max3A_122[15] : i32 from vector<16xi32>
    %shift_right_arithmetic3A_124 = arith.constant 7 : i32
    %shift_right_arithmetic3A_125 = arith.shrsi %reduce_max3A_123, %shift_right_arithmetic3A_124 : i32
    %shift_left3A_126 = arith.constant 7 : i32
    %shift_left3A_127 = arith.shli %shift_right_arithmetic3A_125, %shift_left3A_126 : i32
    %multiple_of3A_128 = tpu.assume_multiple %shift_left3A_127, 128 : i32
    %dma_start3A_129 = arith.constant 0 : i32
    %dma_start3A_130 = tpu.memref_slice %arg2[%dma_start3A_129, %multiple_of3A_128] : memref<32x1000000xf32, #tpu.memory_space<hbm>> -> memref<32x128xf32, #tpu.memory_space<hbm>>
    %dma_start3A_131 = arith.constant 0 : i32
    %dma_start3A_132 = tpu.memref_slice %arg2[%dma_start3A_131, %multiple_of3A_128] : memref<32x1000000xf32, #tpu.memory_space<hbm>> -> memref<32x128xf32, #tpu.memory_space<hbm>>
    tpu.enqueue_dma source(%dma_start3A_132 : memref<32x128xf32, #tpu.memory_space<hbm>>) target(%arg9 : memref<32x128xf32, #tpu.memory_space<vmem>>) target_semaphore(%arg18 : memref<!tpu.dma_semaphore, #tpu.memory_space<semaphore_mem>>)
    %eq3A_133 = arith.constant 4 : i32
    %eq3A_134 = vector.broadcast %eq3A_133 : i32 to vector<16xi32>
    %eq3A_135 = arith.cmpi eq, %iota3A, %eq3A_134 : vector<16xi32>
    %jit3A_136 = arith.constant 0 : i32
    %broadcast_in_dim3A_137 = vector.broadcast %jit3A_136 : i32 to vector<16xi32>
    %select_n3A_138 = arith.select %eq3A_135, %get3A_46, %broadcast_in_dim3A_137 : vector<16xi1>, vector<16xi32>
    %reduce_max3A_139 = arith.constant true
    %reduce_max3A_140 = vector.broadcast %reduce_max3A_139 : i1 to vector<16xi1>
    %reduce_max3A_141 = arith.constant -2147483648 : i32
    %reduce_max3A_142 = vector.broadcast %reduce_max3A_141 : i32 to vector<16xi32>
    %reduce_max3A_143 = arith.xori %select_n3A_138, %reduce_max3A_142 : vector<16xi32>
    %reduce_max3A_144 = tpu.scan <max>, %reduce_max3A_143 masked %reduce_max3A_140 : vector<16xi32>, vector<16xi1> -> vector<16xi32>
    %reduce_max3A_145 = arith.xori %reduce_max3A_144, %reduce_max3A_142 : vector<16xi32>
    %reduce_max3A_146 = vector.extract %reduce_max3A_145[15] : i32 from vector<16xi32>
    %shift_right_arithmetic3A_147 = arith.constant 7 : i32
    %shift_right_arithmetic3A_148 = arith.shrsi %reduce_max3A_146, %shift_right_arithmetic3A_147 : i32
    %shift_left3A_149 = arith.constant 7 : i32
    %shift_left3A_150 = arith.shli %shift_right_arithmetic3A_148, %shift_left3A_149 : i32
    %multiple_of3A_151 = tpu.assume_multiple %shift_left3A_150, 128 : i32
    %dma_start3A_152 = arith.constant 0 : i32
    %dma_start3A_153 = tpu.memref_slice %arg2[%dma_start3A_152, %multiple_of3A_151] : memref<32x1000000xf32, #tpu.memory_space<hbm>> -> memref<32x128xf32, #tpu.memory_space<hbm>>
    %dma_start3A_154 = arith.constant 0 : i32
    %dma_start3A_155 = tpu.memref_slice %arg2[%dma_start3A_154, %multiple_of3A_151] : memref<32x1000000xf32, #tpu.memory_space<hbm>> -> memref<32x128xf32, #tpu.memory_space<hbm>>
    tpu.enqueue_dma source(%dma_start3A_155 : memref<32x128xf32, #tpu.memory_space<hbm>>) target(%arg10 : memref<32x128xf32, #tpu.memory_space<vmem>>) target_semaphore(%arg19 : memref<!tpu.dma_semaphore, #tpu.memory_space<semaphore_mem>>)
    %eq3A_156 = arith.constant 5 : i32
    %eq3A_157 = vector.broadcast %eq3A_156 : i32 to vector<16xi32>
    %eq3A_158 = arith.cmpi eq, %iota3A, %eq3A_157 : vector<16xi32>
    %jit3A_159 = arith.constant 0 : i32
    %broadcast_in_dim3A_160 = vector.broadcast %jit3A_159 : i32 to vector<16xi32>
    %select_n3A_161 = arith.select %eq3A_158, %get3A_46, %broadcast_in_dim3A_160 : vector<16xi1>, vector<16xi32>
    %reduce_max3A_162 = arith.constant true
    %reduce_max3A_163 = vector.broadcast %reduce_max3A_162 : i1 to vector<16xi1>
    %reduce_max3A_164 = arith.constant -2147483648 : i32
    %reduce_max3A_165 = vector.broadcast %reduce_max3A_164 : i32 to vector<16xi32>
    %reduce_max3A_166 = arith.xori %select_n3A_161, %reduce_max3A_165 : vector<16xi32>
    %reduce_max3A_167 = tpu.scan <max>, %reduce_max3A_166 masked %reduce_max3A_163 : vector<16xi32>, vector<16xi1> -> vector<16xi32>
    %reduce_max3A_168 = arith.xori %reduce_max3A_167, %reduce_max3A_165 : vector<16xi32>
    %reduce_max3A_169 = vector.extract %reduce_max3A_168[15] : i32 from vector<16xi32>
    %shift_right_arithmetic3A_170 = arith.constant 7 : i32
    %shift_right_arithmetic3A_171 = arith.shrsi %reduce_max3A_169, %shift_right_arithmetic3A_170 : i32
    %shift_left3A_172 = arith.constant 7 : i32
    %shift_left3A_173 = arith.shli %shift_right_arithmetic3A_171, %shift_left3A_172 : i32
    %multiple_of3A_174 = tpu.assume_multiple %shift_left3A_173, 128 : i32
    %dma_start3A_175 = arith.constant 0 : i32
    %dma_start3A_176 = tpu.memref_slice %arg2[%dma_start3A_175, %multiple_of3A_174] : memref<32x1000000xf32, #tpu.memory_space<hbm>> -> memref<32x128xf32, #tpu.memory_space<hbm>>
    %dma_start3A_177 = arith.constant 0 : i32
    %dma_start3A_178 = tpu.memref_slice %arg2[%dma_start3A_177, %multiple_of3A_174] : memref<32x1000000xf32, #tpu.memory_space<hbm>> -> memref<32x128xf32, #tpu.memory_space<hbm>>
    tpu.enqueue_dma source(%dma_start3A_178 : memref<32x128xf32, #tpu.memory_space<hbm>>) target(%arg11 : memref<32x128xf32, #tpu.memory_space<vmem>>) target_semaphore(%arg20 : memref<!tpu.dma_semaphore, #tpu.memory_space<semaphore_mem>>)
    %eq3A_179 = arith.constant 6 : i32
    %eq3A_180 = vector.broadcast %eq3A_179 : i32 to vector<16xi32>
    %eq3A_181 = arith.cmpi eq, %iota3A, %eq3A_180 : vector<16xi32>
    %jit3A_182 = arith.constant 0 : i32
    %broadcast_in_dim3A_183 = vector.broadcast %jit3A_182 : i32 to vector<16xi32>
    %select_n3A_184 = arith.select %eq3A_181, %get3A_46, %broadcast_in_dim3A_183 : vector<16xi1>, vector<16xi32>
    %reduce_max3A_185 = arith.constant true
    %reduce_max3A_186 = vector.broadcast %reduce_max3A_185 : i1 to vector<16xi1>
    %reduce_max3A_187 = arith.constant -2147483648 : i32
    %reduce_max3A_188 = vector.broadcast %reduce_max3A_187 : i32 to vector<16xi32>
    %reduce_max3A_189 = arith.xori %select_n3A_184, %reduce_max3A_188 : vector<16xi32>
    %reduce_max3A_190 = tpu.scan <max>, %reduce_max3A_189 masked %reduce_max3A_186 : vector<16xi32>, vector<16xi1> -> vector<16xi32>
    %reduce_max3A_191 = arith.xori %reduce_max3A_190, %reduce_max3A_188 : vector<16xi32>
    %reduce_max3A_192 = vector.extract %reduce_max3A_191[15] : i32 from vector<16xi32>
    %shift_right_arithmetic3A_193 = arith.constant 7 : i32
    %shift_right_arithmetic3A_194 = arith.shrsi %reduce_max3A_192, %shift_right_arithmetic3A_193 : i32
    %shift_left3A_195 = arith.constant 7 : i32
    %shift_left3A_196 = arith.shli %shift_right_arithmetic3A_194, %shift_left3A_195 : i32
    %multiple_of3A_197 = tpu.assume_multiple %shift_left3A_196, 128 : i32
    %dma_start3A_198 = arith.constant 0 : i32
    %dma_start3A_199 = tpu.memref_slice %arg2[%dma_start3A_198, %multiple_of3A_197] : memref<32x1000000xf32, #tpu.memory_space<hbm>> -> memref<32x128xf32, #tpu.memory_space<hbm>>
    %dma_start3A_200 = arith.constant 0 : i32
    %dma_start3A_201 = tpu.memref_slice %arg2[%dma_start3A_200, %multiple_of3A_197] : memref<32x1000000xf32, #tpu.memory_space<hbm>> -> memref<32x128xf32, #tpu.memory_space<hbm>>
    tpu.enqueue_dma source(%dma_start3A_201 : memref<32x128xf32, #tpu.memory_space<hbm>>) target(%arg12 : memref<32x128xf32, #tpu.memory_space<vmem>>) target_semaphore(%arg21 : memref<!tpu.dma_semaphore, #tpu.memory_space<semaphore_mem>>)
    %scan3A = arith.constant 0 : i32
    %scan3A_202 = arith.constant 0 : i32
    %scan3A_203 = arith.constant 32 : i32
    %scan3A_204 = arith.addi %scan3A_202, %scan3A_203 : i32
    %scan3A_205 = arith.constant 1 : i32
    scf.for %scan3A_251 = %scan3A_202 to %scan3A_204 step %scan3A_205  : i32 {
      %mul3A_252 = arith.constant 16 : i32
      %mul3A_253 = arith.muli %scan3A_251, %mul3A_252 : i32
      %get3A_254 = arith.index_cast %mul3A_253 : i32 to index
      %get3A_255 = tpu.vector_load %arg5[%get3A_254] {strides = array<i32>} : memref<528xi32, #tpu.memory_space<vmem>>, vector<16xi32>,
      %eq3A_256 = arith.constant 0 : i32
      %eq3A_257 = vector.broadcast %eq3A_256 : i32 to vector<16xi32>
      %eq3A_258 = arith.cmpi eq, %iota3A, %eq3A_257 : vector<16xi32>
      %jit3A_259 = arith.constant 0 : i32
      %broadcast_in_dim3A_260 = vector.broadcast %jit3A_259 : i32 to vector<16xi32>
      %select_n3A_261 = arith.select %eq3A_258, %get3A_255, %broadcast_in_dim3A_260 : vector<16xi1>, vector<16xi32>
      %reduce_max3A_262 = arith.constant true
      %reduce_max3A_263 = vector.broadcast %reduce_max3A_262 : i1 to vector<16xi1>
      %reduce_max3A_264 = arith.constant -2147483648 : i32
      %reduce_max3A_265 = vector.broadcast %reduce_max3A_264 : i32 to vector<16xi32>
      %reduce_max3A_266 = arith.xori %select_n3A_261, %reduce_max3A_265 : vector<16xi32>
      %reduce_max3A_267 = tpu.scan <max>, %reduce_max3A_266 masked %reduce_max3A_263 : vector<16xi32>, vector<16xi1> -> vector<16xi32>
      %reduce_max3A_268 = arith.xori %reduce_max3A_267, %reduce_max3A_265 : vector<16xi32>
      %reduce_max3A_269 = vector.extract %reduce_max3A_268[15] : i32 from vector<16xi32>
      %eq3A_270 = arith.constant 1 : i32
      %eq3A_271 = vector.broadcast %eq3A_270 : i32 to vector<16xi32>
      %eq3A_272 = arith.cmpi eq, %iota3A, %eq3A_271 : vector<16xi32>
      %jit3A_273 = arith.constant 0 : i32
      %broadcast_in_dim3A_274 = vector.broadcast %jit3A_273 : i32 to vector<16xi32>
      %select_n3A_275 = arith.select %eq3A_272, %get3A_255, %broadcast_in_dim3A_274 : vector<16xi1>, vector<16xi32>
      %reduce_max3A_276 = arith.constant true
      %reduce_max3A_277 = vector.broadcast %reduce_max3A_276 : i1 to vector<16xi1>
      %reduce_max3A_278 = arith.constant -2147483648 : i32
      %reduce_max3A_279 = vector.broadcast %reduce_max3A_278 : i32 to vector<16xi32>
      %reduce_max3A_280 = arith.xori %select_n3A_275, %reduce_max3A_279 : vector<16xi32>
      %reduce_max3A_281 = tpu.scan <max>, %reduce_max3A_280 masked %reduce_max3A_277 : vector<16xi32>, vector<16xi1> -> vector<16xi32>
      %reduce_max3A_282 = arith.xori %reduce_max3A_281, %reduce_max3A_279 : vector<16xi32>
      %reduce_max3A_283 = vector.extract %reduce_max3A_282[15] : i32 from vector<16xi32>
      %eq3A_284 = arith.constant 2 : i32
      %eq3A_285 = vector.broadcast %eq3A_284 : i32 to vector<16xi32>
      %eq3A_286 = arith.cmpi eq, %iota3A, %eq3A_285 : vector<16xi32>
      %jit3A_287 = arith.constant 0 : i32
      %broadcast_in_dim3A_288 = vector.broadcast %jit3A_287 : i32 to vector<16xi32>
      %select_n3A_289 = arith.select %eq3A_286, %get3A_255, %broadcast_in_dim3A_288 : vector<16xi1>, vector<16xi32>
      %reduce_max3A_290 = arith.constant true
      %reduce_max3A_291 = vector.broadcast %reduce_max3A_290 : i1 to vector<16xi1>
      %reduce_max3A_292 = arith.constant -2147483648 : i32
      %reduce_max3A_293 = vector.broadcast %reduce_max3A_292 : i32 to vector<16xi32>
      %reduce_max3A_294 = arith.xori %select_n3A_289, %reduce_max3A_293 : vector<16xi32>
      %reduce_max3A_295 = tpu.scan <max>, %reduce_max3A_294 masked %reduce_max3A_291 : vector<16xi32>, vector<16xi1> -> vector<16xi32>
      %reduce_max3A_296 = arith.xori %reduce_max3A_295, %reduce_max3A_293 : vector<16xi32>
      %reduce_max3A_297 = vector.extract %reduce_max3A_296[15] : i32 from vector<16xi32>
      %eq3A_298 = arith.constant 3 : i32
      %eq3A_299 = vector.broadcast %eq3A_298 : i32 to vector<16xi32>
      %eq3A_300 = arith.cmpi eq, %iota3A, %eq3A_299 : vector<16xi32>
      %jit3A_301 = arith.constant 0 : i32
      %broadcast_in_dim3A_302 = vector.broadcast %jit3A_301 : i32 to vector<16xi32>
      %select_n3A_303 = arith.select %eq3A_300, %get3A_255, %broadcast_in_dim3A_302 : vector<16xi1>, vector<16xi32>
      %reduce_max3A_304 = arith.constant true
      %reduce_max3A_305 = vector.broadcast %reduce_max3A_304 : i1 to vector<16xi1>
      %reduce_max3A_306 = arith.constant -2147483648 : i32
      %reduce_max3A_307 = vector.broadcast %reduce_max3A_306 : i32 to vector<16xi32>
      %reduce_max3A_308 = arith.xori %select_n3A_303, %reduce_max3A_307 : vector<16xi32>
      %reduce_max3A_309 = tpu.scan <max>, %reduce_max3A_308 masked %reduce_max3A_305 : vector<16xi32>, vector<16xi1> -> vector<16xi32>
      %reduce_max3A_310 = arith.xori %reduce_max3A_309, %reduce_max3A_307 : vector<16xi32>
      %reduce_max3A_311 = vector.extract %reduce_max3A_310[15] : i32 from vector<16xi32>
      %eq3A_312 = arith.constant 4 : i32
      %eq3A_313 = vector.broadcast %eq3A_312 : i32 to vector<16xi32>
      %eq3A_314 = arith.cmpi eq, %iota3A, %eq3A_313 : vector<16xi32>
      %jit3A_315 = arith.constant 0 : i32
      %broadcast_in_dim3A_316 = vector.broadcast %jit3A_315 : i32 to vector<16xi32>
      %select_n3A_317 = arith.select %eq3A_314, %get3A_255, %broadcast_in_dim3A_316 : vector<16xi1>, vector<16xi32>
      %reduce_max3A_318 = arith.constant true
      %reduce_max3A_319 = vector.broadcast %reduce_max3A_318 : i1 to vector<16xi1>
      %reduce_max3A_320 = arith.constant -2147483648 : i32
      %reduce_max3A_321 = vector.broadcast %reduce_max3A_320 : i32 to vector<16xi32>
      %reduce_max3A_322 = arith.xori %select_n3A_317, %reduce_max3A_321 : vector<16xi32>
      %reduce_max3A_323 = tpu.scan <max>, %reduce_max3A_322 masked %reduce_max3A_319 : vector<16xi32>, vector<16xi1> -> vector<16xi32>
      %reduce_max3A_324 = arith.xori %reduce_max3A_323, %reduce_max3A_321 : vector<16xi32>
      %reduce_max3A_325 = vector.extract %reduce_max3A_324[15] : i32 from vector<16xi32>
      %eq3A_326 = arith.constant 5 : i32
      %eq3A_327 = vector.broadcast %eq3A_326 : i32 to vector<16xi32>
      %eq3A_328 = arith.cmpi eq, %iota3A, %eq3A_327 : vector<16xi32>
      %jit3A_329 = arith.constant 0 : i32
      %broadcast_in_dim3A_330 = vector.broadcast %jit3A_329 : i32 to vector<16xi32>
      %select_n3A_331 = arith.select %eq3A_328, %get3A_255, %broadcast_in_dim3A_330 : vector<16xi1>, vector<16xi32>
      %reduce_max3A_332 = arith.constant true
      %reduce_max3A_333 = vector.broadcast %reduce_max3A_332 : i1 to vector<16xi1>
      %reduce_max3A_334 = arith.constant -2147483648 : i32
      %reduce_max3A_335 = vector.broadcast %reduce_max3A_334 : i32 to vector<16xi32>
      %reduce_max3A_336 = arith.xori %select_n3A_331, %reduce_max3A_335 : vector<16xi32>
      %reduce_max3A_337 = tpu.scan <max>, %reduce_max3A_336 masked %reduce_max3A_333 : vector<16xi32>, vector<16xi1> -> vector<16xi32>
      %reduce_max3A_338 = arith.xori %reduce_max3A_337, %reduce_max3A_335 : vector<16xi32>
      %reduce_max3A_339 = vector.extract %reduce_max3A_338[15] : i32 from vector<16xi32>
      %eq3A_340 = arith.constant 6 : i32
      %eq3A_341 = vector.broadcast %eq3A_340 : i32 to vector<16xi32>
      %eq3A_342 = arith.cmpi eq, %iota3A, %eq3A_341 : vector<16xi32>
      %jit3A_343 = arith.constant 0 : i32
      %broadcast_in_dim3A_344 = vector.broadcast %jit3A_343 : i32 to vector<16xi32>
      %select_n3A_345 = arith.select %eq3A_342, %get3A_255, %broadcast_in_dim3A_344 : vector<16xi1>, vector<16xi32>
      %reduce_max3A_346 = arith.constant true
      %reduce_max3A_347 = vector.broadcast %reduce_max3A_346 : i1 to vector<16xi1>
      %reduce_max3A_348 = arith.constant -2147483648 : i32
      %reduce_max3A_349 = vector.broadcast %reduce_max3A_348 : i32 to vector<16xi32>
      %reduce_max3A_350 = arith.xori %select_n3A_345, %reduce_max3A_349 : vector<16xi32>
      %reduce_max3A_351 = tpu.scan <max>, %reduce_max3A_350 masked %reduce_max3A_347 : vector<16xi32>, vector<16xi1> -> vector<16xi32>
      %reduce_max3A_352 = arith.xori %reduce_max3A_351, %reduce_max3A_349 : vector<16xi32>
      %reduce_max3A_353 = vector.extract %reduce_max3A_352[15] : i32 from vector<16xi32>
      %eq3A_354 = arith.constant 7 : i32
      %eq3A_355 = vector.broadcast %eq3A_354 : i32 to vector<16xi32>
      %eq3A_356 = arith.cmpi eq, %iota3A, %eq3A_355 : vector<16xi32>
      %jit3A_357 = arith.constant 0 : i32
      %broadcast_in_dim3A_358 = vector.broadcast %jit3A_357 : i32 to vector<16xi32>
      %select_n3A_359 = arith.select %eq3A_356, %get3A_255, %broadcast_in_dim3A_358 : vector<16xi1>, vector<16xi32>
      %reduce_max3A_360 = arith.constant true
      %reduce_max3A_361 = vector.broadcast %reduce_max3A_360 : i1 to vector<16xi1>
      %reduce_max3A_362 = arith.constant -2147483648 : i32
      %reduce_max3A_363 = vector.broadcast %reduce_max3A_362 : i32 to vector<16xi32>
      %reduce_max3A_364 = arith.xori %select_n3A_359, %reduce_max3A_363 : vector<16xi32>
      %reduce_max3A_365 = tpu.scan <max>, %reduce_max3A_364 masked %reduce_max3A_361 : vector<16xi32>, vector<16xi1> -> vector<16xi32>
      %reduce_max3A_366 = arith.xori %reduce_max3A_365, %reduce_max3A_363 : vector<16xi32>
      %reduce_max3A_367 = vector.extract %reduce_max3A_366[15] : i32 from vector<16xi32>
      %eq3A_368 = arith.constant 8 : i32
      %eq3A_369 = vector.broadcast %eq3A_368 : i32 to vector<16xi32>
      %eq3A_370 = arith.cmpi eq, %iota3A, %eq3A_369 : vector<16xi32>
      %jit3A_371 = arith.constant 0 : i32
      %broadcast_in_dim3A_372 = vector.broadcast %jit3A_371 : i32 to vector<16xi32>
      %select_n3A_373 = arith.select %eq3A_370, %get3A_255, %broadcast_in_dim3A_372 : vector<16xi1>, vector<16xi32>
      %reduce_max3A_374 = arith.constant true
      %reduce_max3A_375 = vector.broadcast %reduce_max3A_374 : i1 to vector<16xi1>
      %reduce_max3A_376 = arith.constant -2147483648 : i32
      %reduce_max3A_377 = vector.broadcast %reduce_max3A_376 : i32 to vector<16xi32>
      %reduce_max3A_378 = arith.xori %select_n3A_373, %reduce_max3A_377 : vector<16xi32>
      %reduce_max3A_379 = tpu.scan <max>, %reduce_max3A_378 masked %reduce_max3A_375 : vector<16xi32>, vector<16xi1> -> vector<16xi32>
      %reduce_max3A_380 = arith.xori %reduce_max3A_379, %reduce_max3A_377 : vector<16xi32>
      %reduce_max3A_381 = vector.extract %reduce_max3A_380[15] : i32 from vector<16xi32>
      %eq3A_382 = arith.constant 9 : i32
      %eq3A_383 = vector.broadcast %eq3A_382 : i32 to vector<16xi32>
      %eq3A_384 = arith.cmpi eq, %iota3A, %eq3A_383 : vector<16xi32>
      %jit3A_385 = arith.constant 0 : i32
      %broadcast_in_dim3A_386 = vector.broadcast %jit3A_385 : i32 to vector<16xi32>
      %select_n3A_387 = arith.select %eq3A_384, %get3A_255, %broadcast_in_dim3A_386 : vector<16xi1>, vector<16xi32>
      %reduce_max3A_388 = arith.constant true
      %reduce_max3A_389 = vector.broadcast %reduce_max3A_388 : i1 to vector<16xi1>
      %reduce_max3A_390 = arith.constant -2147483648 : i32
      %reduce_max3A_391 = vector.broadcast %reduce_max3A_390 : i32 to vector<16xi32>
      %reduce_max3A_392 = arith.xori %select_n3A_387, %reduce_max3A_391 : vector<16xi32>
      %reduce_max3A_393 = tpu.scan <max>, %reduce_max3A_392 masked %reduce_max3A_389 : vector<16xi32>, vector<16xi1> -> vector<16xi32>
      %reduce_max3A_394 = arith.xori %reduce_max3A_393, %reduce_max3A_391 : vector<16xi32>
      %reduce_max3A_395 = vector.extract %reduce_max3A_394[15] : i32 from vector<16xi32>
      %eq3A_396 = arith.constant 10 : i32
      %eq3A_397 = vector.broadcast %eq3A_396 : i32 to vector<16xi32>
      %eq3A_398 = arith.cmpi eq, %iota3A, %eq3A_397 : vector<16xi32>
      %jit3A_399 = arith.constant 0 : i32
      %broadcast_in_dim3A_400 = vector.broadcast %jit3A_399 : i32 to vector<16xi32>
      %select_n3A_401 = arith.select %eq3A_398, %get3A_255, %broadcast_in_dim3A_400 : vector<16xi1>, vector<16xi32>
      %reduce_max3A_402 = arith.constant true
      %reduce_max3A_403 = vector.broadcast %reduce_max3A_402 : i1 to vector<16xi1>
      %reduce_max3A_404 = arith.constant -2147483648 : i32
      %reduce_max3A_405 = vector.broadcast %reduce_max3A_404 : i32 to vector<16xi32>
      %reduce_max3A_406 = arith.xori %select_n3A_401, %reduce_max3A_405 : vector<16xi32>
      %reduce_max3A_407 = tpu.scan <max>, %reduce_max3A_406 masked %reduce_max3A_403 : vector<16xi32>, vector<16xi1> -> vector<16xi32>
      %reduce_max3A_408 = arith.xori %reduce_max3A_407, %reduce_max3A_405 : vector<16xi32>
      %reduce_max3A_409 = vector.extract %reduce_max3A_408[15] : i32 from vector<16xi32>
      %eq3A_410 = arith.constant 11 : i32
      %eq3A_411 = vector.broadcast %eq3A_410 : i32 to vector<16xi32>
      %eq3A_412 = arith.cmpi eq, %iota3A, %eq3A_411 : vector<16xi32>
      %jit3A_413 = arith.constant 0 : i32
      %broadcast_in_dim3A_414 = vector.broadcast %jit3A_413 : i32 to vector<16xi32>
      %select_n3A_415 = arith.select %eq3A_412, %get3A_255, %broadcast_in_dim3A_414 : vector<16xi1>, vector<16xi32>
      %reduce_max3A_416 = arith.constant true
      %reduce_max3A_417 = vector.broadcast %reduce_max3A_416 : i1 to vector<16xi1>
      %reduce_max3A_418 = arith.constant -2147483648 : i32
      %reduce_max3A_419 = vector.broadcast %reduce_max3A_418 : i32 to vector<16xi32>
      %reduce_max3A_420 = arith.xori %select_n3A_415, %reduce_max3A_419 : vector<16xi32>
      %reduce_max3A_421 = tpu.scan <max>, %reduce_max3A_420 masked %reduce_max3A_417 : vector<16xi32>, vector<16xi1> -> vector<16xi32>
      %reduce_max3A_422 = arith.xori %reduce_max3A_421, %reduce_max3A_419 : vector<16xi32>
      %reduce_max3A_423 = vector.extract %reduce_max3A_422[15] : i32 from vector<16xi32>
      %eq3A_424 = arith.constant 12 : i32
      %eq3A_425 = vector.broadcast %eq3A_424 : i32 to vector<16xi32>
      %eq3A_426 = arith.cmpi eq, %iota3A, %eq3A_425 : vector<16xi32>
      %jit3A_427 = arith.constant 0 : i32
      %broadcast_in_dim3A_428 = vector.broadcast %jit3A_427 : i32 to vector<16xi32>
      %select_n3A_429 = arith.select %eq3A_426, %get3A_255, %broadcast_in_dim3A_428 : vector<16xi1>, vector<16xi32>
      %reduce_max3A_430 = arith.constant true
      %reduce_max3A_431 = vector.broadcast %reduce_max3A_430 : i1 to vector<16xi1>
      %reduce_max3A_432 = arith.constant -2147483648 : i32
      %reduce_max3A_433 = vector.broadcast %reduce_max3A_432 : i32 to vector<16xi32>
      %reduce_max3A_434 = arith.xori %select_n3A_429, %reduce_max3A_433 : vector<16xi32>
      %reduce_max3A_435 = tpu.scan <max>, %reduce_max3A_434 masked %reduce_max3A_431 : vector<16xi32>, vector<16xi1> -> vector<16xi32>
      %reduce_max3A_436 = arith.xori %reduce_max3A_435, %reduce_max3A_433 : vector<16xi32>
      %reduce_max3A_437 = vector.extract %reduce_max3A_436[15] : i32 from vector<16xi32>
      %eq3A_438 = arith.constant 13 : i32
      %eq3A_439 = vector.broadcast %eq3A_438 : i32 to vector<16xi32>
      %eq3A_440 = arith.cmpi eq, %iota3A, %eq3A_439 : vector<16xi32>
      %jit3A_441 = arith.constant 0 : i32
      %broadcast_in_dim3A_442 = vector.broadcast %jit3A_441 : i32 to vector<16xi32>
      %select_n3A_443 = arith.select %eq3A_440, %get3A_255, %broadcast_in_dim3A_442 : vector<16xi1>, vector<16xi32>
      %reduce_max3A_444 = arith.constant true
      %reduce_max3A_445 = vector.broadcast %reduce_max3A_444 : i1 to vector<16xi1>
      %reduce_max3A_446 = arith.constant -2147483648 : i32
      %reduce_max3A_447 = vector.broadcast %reduce_max3A_446 : i32 to vector<16xi32>
      %reduce_max3A_448 = arith.xori %select_n3A_443, %reduce_max3A_447 : vector<16xi32>
      %reduce_max3A_449 = tpu.scan <max>, %reduce_max3A_448 masked %reduce_max3A_445 : vector<16xi32>, vector<16xi1> -> vector<16xi32>
      %reduce_max3A_450 = arith.xori %reduce_max3A_449, %reduce_max3A_447 : vector<16xi32>
      %reduce_max3A_451 = vector.extract %reduce_max3A_450[15] : i32 from vector<16xi32>
      %eq3A_452 = arith.constant 14 : i32
      %eq3A_453 = vector.broadcast %eq3A_452 : i32 to vector<16xi32>
      %eq3A_454 = arith.cmpi eq, %iota3A, %eq3A_453 : vector<16xi32>
      %jit3A_455 = arith.constant 0 : i32
      %broadcast_in_dim3A_456 = vector.broadcast %jit3A_455 : i32 to vector<16xi32>
      %select_n3A_457 = arith.select %eq3A_454, %get3A_255, %broadcast_in_dim3A_456 : vector<16xi1>, vector<16xi32>
      %reduce_max3A_458 = arith.constant true
      %reduce_max3A_459 = vector.broadcast %reduce_max3A_458 : i1 to vector<16xi1>
      %reduce_max3A_460 = arith.constant -2147483648 : i32
      %reduce_max3A_461 = vector.broadcast %reduce_max3A_460 : i32 to vector<16xi32>
      %reduce_max3A_462 = arith.xori %select_n3A_457, %reduce_max3A_461 : vector<16xi32>
      %reduce_max3A_463 = tpu.scan <max>, %reduce_max3A_462 masked %reduce_max3A_459 : vector<16xi32>, vector<16xi1> -> vector<16xi32>
      %reduce_max3A_464 = arith.xori %reduce_max3A_463, %reduce_max3A_461 : vector<16xi32>
      %reduce_max3A_465 = vector.extract %reduce_max3A_464[15] : i32 from vector<16xi32>
      %eq3A_466 = arith.constant 15 : i32
      %eq3A_467 = vector.broadcast %eq3A_466 : i32 to vector<16xi32>
      %eq3A_468 = arith.cmpi eq, %iota3A, %eq3A_467 : vector<16xi32>
      %jit3A_469 = arith.constant 0 : i32
      %broadcast_in_dim3A_470 = vector.broadcast %jit3A_469 : i32 to vector<16xi32>
      %select_n3A_471 = arith.select %eq3A_468, %get3A_255, %broadcast_in_dim3A_470 : vector<16xi1>, vector<16xi32>
      %reduce_max3A_472 = arith.constant true
      %reduce_max3A_473 = vector.broadcast %reduce_max3A_472 : i1 to vector<16xi1>
      %reduce_max3A_474 = arith.constant -2147483648 : i32
      %reduce_max3A_475 = vector.broadcast %reduce_max3A_474 : i32 to vector<16xi32>
      %reduce_max3A_476 = arith.xori %select_n3A_471, %reduce_max3A_475 : vector<16xi32>
      %reduce_max3A_477 = tpu.scan <max>, %reduce_max3A_476 masked %reduce_max3A_473 : vector<16xi32>, vector<16xi1> -> vector<16xi32>
      %reduce_max3A_478 = arith.xori %reduce_max3A_477, %reduce_max3A_475 : vector<16xi32>
      %reduce_max3A_479 = vector.extract %reduce_max3A_478[15] : i32 from vector<16xi32>
      %add3A_480 = arith.constant 16 : i32
      %add3A_481 = arith.addi %mul3A_253, %add3A_480 : i32
      %get3A_482 = arith.index_cast %add3A_481 : i32 to index
      %get3A_483 = tpu.vector_load %arg5[%get3A_482] {strides = array<i32>} : memref<528xi32, #tpu.memory_space<vmem>>, vector<16xi32>,
      %add3A_484 = arith.constant 1 : i32
      %add3A_485 = arith.addi %scan3A_251, %add3A_484 : i32
      %lt3A_486 = arith.constant 32 : i32
      %lt3A_487 = arith.cmpi slt, %add3A_485, %lt3A_486 : i32
      %eq3A_488 = arith.constant 0 : i32
      %eq3A_489 = vector.broadcast %eq3A_488 : i32 to vector<16xi32>
      %eq3A_490 = arith.cmpi eq, %iota3A, %eq3A_489 : vector<16xi32>
      %jit3A_491 = arith.constant 0 : i32
      %broadcast_in_dim3A_492 = vector.broadcast %jit3A_491 : i32 to vector<16xi32>
      %select_n3A_493 = arith.select %eq3A_490, %get3A_483, %broadcast_in_dim3A_492 : vector<16xi1>, vector<16xi32>
      %reduce_max3A_494 = arith.constant true
      %reduce_max3A_495 = vector.broadcast %reduce_max3A_494 : i1 to vector<16xi1>
      %reduce_max3A_496 = arith.constant -2147483648 : i32
      %reduce_max3A_497 = vector.broadcast %reduce_max3A_496 : i32 to vector<16xi32>
      %reduce_max3A_498 = arith.xori %select_n3A_493, %reduce_max3A_497 : vector<16xi32>
      %reduce_max3A_499 = tpu.scan <max>, %reduce_max3A_498 masked %reduce_max3A_495 : vector<16xi32>, vector<16xi1> -> vector<16xi32>
      %reduce_max3A_500 = arith.xori %reduce_max3A_499, %reduce_max3A_497 : vector<16xi32>
      %reduce_max3A_501 = vector.extract %reduce_max3A_500[15] : i32 from vector<16xi32>
      %jit3A_502 = arith.constant 0 : i32
      %select_n3A_503 = arith.select %lt3A_487, %reduce_max3A_501, %jit3A_502 : i32
      %eq3A_504 = arith.constant 1 : i32
      %eq3A_505 = vector.broadcast %eq3A_504 : i32 to vector<16xi32>
      %eq3A_506 = arith.cmpi eq, %iota3A, %eq3A_505 : vector<16xi32>
      %jit3A_507 = arith.constant 0 : i32
      %broadcast_in_dim3A_508 = vector.broadcast %jit3A_507 : i32 to vector<16xi32>
      %select_n3A_509 = arith.select %eq3A_506, %get3A_483, %broadcast_in_dim3A_508 : vector<16xi1>, vector<16xi32>
      %reduce_max3A_510 = arith.constant true
      %reduce_max3A_511 = vector.broadcast %reduce_max3A_510 : i1 to vector<16xi1>
      %reduce_max3A_512 = arith.constant -2147483648 : i32
      %reduce_max3A_513 = vector.broadcast %reduce_max3A_512 : i32 to vector<16xi32>
      %reduce_max3A_514 = arith.xori %select_n3A_509, %reduce_max3A_513 : vector<16xi32>
      %reduce_max3A_515 = tpu.scan <max>, %reduce_max3A_514 masked %reduce_max3A_511 : vector<16xi32>, vector<16xi1> -> vector<16xi32>
      %reduce_max3A_516 = arith.xori %reduce_max3A_515, %reduce_max3A_513 : vector<16xi32>
      %reduce_max3A_517 = vector.extract %reduce_max3A_516[15] : i32 from vector<16xi32>
      %jit3A_518 = arith.constant 0 : i32
      %select_n3A_519 = arith.select %lt3A_487, %reduce_max3A_517, %jit3A_518 : i32
      %eq3A_520 = arith.constant 2 : i32
      %eq3A_521 = vector.broadcast %eq3A_520 : i32 to vector<16xi32>
      %eq3A_522 = arith.cmpi eq, %iota3A, %eq3A_521 : vector<16xi32>
      %jit3A_523 = arith.constant 0 : i32
      %broadcast_in_dim3A_524 = vector.broadcast %jit3A_523 : i32 to vector<16xi32>
      %select_n3A_525 = arith.select %eq3A_522, %get3A_483, %broadcast_in_dim3A_524 : vector<16xi1>, vector<16xi32>
      %reduce_max3A_526 = arith.constant true
      %reduce_max3A_527 = vector.broadcast %reduce_max3A_526 : i1 to vector<16xi1>
      %reduce_max3A_528 = arith.constant -2147483648 : i32
      %reduce_max3A_529 = vector.broadcast %reduce_max3A_528 : i32 to vector<16xi32>
      %reduce_max3A_530 = arith.xori %select_n3A_525, %reduce_max3A_529 : vector<16xi32>
      %reduce_max3A_531 = tpu.scan <max>, %reduce_max3A_530 masked %reduce_max3A_527 : vector<16xi32>, vector<16xi1> -> vector<16xi32>
      %reduce_max3A_532 = arith.xori %reduce_max3A_531, %reduce_max3A_529 : vector<16xi32>
      %reduce_max3A_533 = vector.extract %reduce_max3A_532[15] : i32 from vector<16xi32>
      %jit3A_534 = arith.constant 0 : i32
      %select_n3A_535 = arith.select %lt3A_487, %reduce_max3A_533, %jit3A_534 : i32
      %eq3A_536 = arith.constant 3 : i32
      %eq3A_537 = vector.broadcast %eq3A_536 : i32 to vector<16xi32>
      %eq3A_538 = arith.cmpi eq, %iota3A, %eq3A_537 : vector<16xi32>
      %jit3A_539 = arith.constant 0 : i32
      %broadcast_in_dim3A_540 = vector.broadcast %jit3A_539 : i32 to vector<16xi32>
      %select_n3A_541 = arith.select %eq3A_538, %get3A_483, %broadcast_in_dim3A_540 : vector<16xi1>, vector<16xi32>
      %reduce_max3A_542 = arith.constant true
      %reduce_max3A_543 = vector.broadcast %reduce_max3A_542 : i1 to vector<16xi1>
      %reduce_max3A_544 = arith.constant -2147483648 : i32
      %reduce_max3A_545 = vector.broadcast %reduce_max3A_544 : i32 to vector<16xi32>
      %reduce_max3A_546 = arith.xori %select_n3A_541, %reduce_max3A_545 : vector<16xi32>
      %reduce_max3A_547 = tpu.scan <max>, %reduce_max3A_546 masked %reduce_max3A_543 : vector<16xi32>, vector<16xi1> -> vector<16xi32>
      %reduce_max3A_548 = arith.xori %reduce_max3A_547, %reduce_max3A_545 : vector<16xi32>
      %reduce_max3A_549 = vector.extract %reduce_max3A_548[15] : i32 from vector<16xi32>
      %jit3A_550 = arith.constant 0 : i32
      %select_n3A_551 = arith.select %lt3A_487, %reduce_max3A_549, %jit3A_550 : i32
      %eq3A_552 = arith.constant 4 : i32
      %eq3A_553 = vector.broadcast %eq3A_552 : i32 to vector<16xi32>
      %eq3A_554 = arith.cmpi eq, %iota3A, %eq3A_553 : vector<16xi32>
      %jit3A_555 = arith.constant 0 : i32
      %broadcast_in_dim3A_556 = vector.broadcast %jit3A_555 : i32 to vector<16xi32>
      %select_n3A_557 = arith.select %eq3A_554, %get3A_483, %broadcast_in_dim3A_556 : vector<16xi1>, vector<16xi32>
      %reduce_max3A_558 = arith.constant true
      %reduce_max3A_559 = vector.broadcast %reduce_max3A_558 : i1 to vector<16xi1>
      %reduce_max3A_560 = arith.constant -2147483648 : i32
      %reduce_max3A_561 = vector.broadcast %reduce_max3A_560 : i32 to vector<16xi32>
      %reduce_max3A_562 = arith.xori %select_n3A_557, %reduce_max3A_561 : vector<16xi32>
      %reduce_max3A_563 = tpu.scan <max>, %reduce_max3A_562 masked %reduce_max3A_559 : vector<16xi32>, vector<16xi1> -> vector<16xi32>
      %reduce_max3A_564 = arith.xori %reduce_max3A_563, %reduce_max3A_561 : vector<16xi32>
      %reduce_max3A_565 = vector.extract %reduce_max3A_564[15] : i32 from vector<16xi32>
      %jit3A_566 = arith.constant 0 : i32
      %select_n3A_567 = arith.select %lt3A_487, %reduce_max3A_565, %jit3A_566 : i32
      %eq3A_568 = arith.constant 5 : i32
      %eq3A_569 = vector.broadcast %eq3A_568 : i32 to vector<16xi32>
      %eq3A_570 = arith.cmpi eq, %iota3A, %eq3A_569 : vector<16xi32>
      %jit3A_571 = arith.constant 0 : i32
      %broadcast_in_dim3A_572 = vector.broadcast %jit3A_571 : i32 to vector<16xi32>
      %select_n3A_573 = arith.select %eq3A_570, %get3A_483, %broadcast_in_dim3A_572 : vector<16xi1>, vector<16xi32>
      %reduce_max3A_574 = arith.constant true
      %reduce_max3A_575 = vector.broadcast %reduce_max3A_574 : i1 to vector<16xi1>
      %reduce_max3A_576 = arith.constant -2147483648 : i32
      %reduce_max3A_577 = vector.broadcast %reduce_max3A_576 : i32 to vector<16xi32>
      %reduce_max3A_578 = arith.xori %select_n3A_573, %reduce_max3A_577 : vector<16xi32>
      %reduce_max3A_579 = tpu.scan <max>, %reduce_max3A_578 masked %reduce_max3A_575 : vector<16xi32>, vector<16xi1> -> vector<16xi32>
      %reduce_max3A_580 = arith.xori %reduce_max3A_579, %reduce_max3A_577 : vector<16xi32>
      %reduce_max3A_581 = vector.extract %reduce_max3A_580[15] : i32 from vector<16xi32>
      %jit3A_582 = arith.constant 0 : i32
      %select_n3A_583 = arith.select %lt3A_487, %reduce_max3A_581, %jit3A_582 : i32
      %eq3A_584 = arith.constant 6 : i32
      %eq3A_585 = vector.broadcast %eq3A_584 : i32 to vector<16xi32>
      %eq3A_586 = arith.cmpi eq, %iota3A, %eq3A_585 : vector<16xi32>
      %jit3A_587 = arith.constant 0 : i32
      %broadcast_in_dim3A_588 = vector.broadcast %jit3A_587 : i32 to vector<16xi32>
      %select_n3A_589 = arith.select %eq3A_586, %get3A_483, %broadcast_in_dim3A_588 : vector<16xi1>, vector<16xi32>
      %reduce_max3A_590 = arith.constant true
      %reduce_max3A_591 = vector.broadcast %reduce_max3A_590 : i1 to vector<16xi1>
      %reduce_max3A_592 = arith.constant -2147483648 : i32
      %reduce_max3A_593 = vector.broadcast %reduce_max3A_592 : i32 to vector<16xi32>
      %reduce_max3A_594 = arith.xori %select_n3A_589, %reduce_max3A_593 : vector<16xi32>
      %reduce_max3A_595 = tpu.scan <max>, %reduce_max3A_594 masked %reduce_max3A_591 : vector<16xi32>, vector<16xi1> -> vector<16xi32>
      %reduce_max3A_596 = arith.xori %reduce_max3A_595, %reduce_max3A_593 : vector<16xi32>
      %reduce_max3A_597 = vector.extract %reduce_max3A_596[15] : i32 from vector<16xi32>
      %jit3A_598 = arith.constant 0 : i32
      %select_n3A_599 = arith.select %lt3A_487, %reduce_max3A_597, %jit3A_598 : i32
      %shift_right_arithmetic3A_600 = arith.constant 7 : i32
      %shift_right_arithmetic3A_601 = arith.shrsi %reduce_max3A_367, %shift_right_arithmetic3A_600 : i32
      %shift_left3A_602 = arith.constant 7 : i32
      %shift_left3A_603 = arith.shli %shift_right_arithmetic3A_601, %shift_left3A_602 : i32
      %multiple_of3A_604 = tpu.assume_multiple %shift_left3A_603, 128 : i32
      %dma_start3A_605 = arith.constant 0 : i32
      %dma_start3A_606 = tpu.memref_slice %arg2[%dma_start3A_605, %multiple_of3A_604] : memref<32x1000000xf32, #tpu.memory_space<hbm>> -> memref<32x128xf32, #tpu.memory_space<hbm>>
      %dma_start3A_607 = arith.constant 0 : i32
      %dma_start3A_608 = tpu.memref_slice %arg2[%dma_start3A_607, %multiple_of3A_604] : memref<32x1000000xf32, #tpu.memory_space<hbm>> -> memref<32x128xf32, #tpu.memory_space<hbm>>
      tpu.enqueue_dma source(%dma_start3A_608 : memref<32x128xf32, #tpu.memory_space<hbm>>) target(%arg13 : memref<32x128xf32, #tpu.memory_space<vmem>>) target_semaphore(%arg22 : memref<!tpu.dma_semaphore, #tpu.memory_space<semaphore_mem>>)
      %dma_wait3A_609 = arith.constant 0 : i32
      %dma_wait3A_610 = arith.constant 0 : i32
      %dma_wait3A_611 = tpu.memref_slice %arg2[%dma_wait3A_609, %dma_wait3A_610] : memref<32x1000000xf32, #tpu.memory_space<hbm>> -> memref<32x128xf32, #tpu.memory_space<hbm>>
      %dma_wait3A_612 = arith.constant 0 : i32
      %dma_wait3A_613 = arith.constant 0 : i32
      %dma_wait3A_614 = tpu.memref_slice %arg2[%dma_wait3A_612, %dma_wait3A_613] : memref<32x1000000xf32, #tpu.memory_space<hbm>> -> memref<32x128xf32, #tpu.memory_space<hbm>>
      tpu.wait_dma2 semaphore(%arg15 : memref<!tpu.dma_semaphore, #tpu.memory_space<semaphore_mem>>) src(%dma_wait3A_614 : memref<32x128xf32, #tpu.memory_space<hbm>>) dst(%arg6 : memref<32x128xf32, #tpu.memory_space<vmem>>)
      %and3A_615 = arith.constant 127 : i32
      %and3A_616 = arith.andi %reduce_max3A_269, %and3A_615 : i32
      %broadcast_in_dim3A_617 = vector.broadcast %and3A_616 : i32 to vector<16xi32>
      %add3A_618 = arith.constant 0 : i32
      %add3A_619 = arith.addi %mul3A_253, %add3A_618 : i32
      %broadcast_in_dim3A_620 = vector.broadcast %add3A_619 : i32 to vector<16xi32>
      %add3A_621 = arith.constant 0 : i32
      %add3A_622 = vector.broadcast %add3A_621 : i32 to vector<16xi32>
      %add3A_623 = arith.addi %iota3A, %add3A_622 : vector<16xi32>
      %gather3A = tpu.vector_load_idx %arg6[%add3A_623, %broadcast_in_dim3A_617] : memref<32x128xf32, #tpu.memory_space<vmem>>[vector<16xi32>, vector<16xi32>], vector<16xf32>,
      %add3A_624 = arith.constant 0 : i32
      %add3A_625 = vector.broadcast %add3A_624 : i32 to vector<16xi32>
      %add3A_626 = arith.addi %select_n3A, %add3A_625 : vector<16xi32>
      tpu.vector_store_idx %arg14[%add3A_626, %select_n3A_45, %broadcast_in_dim3A_620], %gather3A : memref<4x8x512xf32, #tpu.memory_space<vmem>>[vector<16xi32>, vector<16xi32>, vector<16xi32>], vector<16xf32>,
      %add3A_627 = arith.constant 16 : i32
      %add3A_628 = vector.broadcast %add3A_627 : i32 to vector<16xi32>
      %add3A_629 = arith.addi %iota3A, %add3A_628 : vector<16xi32>
      %gather3A_630 = tpu.vector_load_idx %arg6[%add3A_629, %broadcast_in_dim3A_617] : memref<32x128xf32, #tpu.memory_space<vmem>>[vector<16xi32>, vector<16xi32>], vector<16xf32>,
      %add3A_631 = arith.constant 2 : i32
      %add3A_632 = vector.broadcast %add3A_631 : i32 to vector<16xi32>
      %add3A_633 = arith.addi %select_n3A, %add3A_632 : vector<16xi32>
      tpu.vector_store_idx %arg14[%add3A_633, %select_n3A_45, %broadcast_in_dim3A_620], %gather3A_630 : memref<4x8x512xf32, #tpu.memory_space<vmem>>[vector<16xi32>, vector<16xi32>, vector<16xi32>], vector<16xf32>,
      %shift_right_arithmetic3A_634 = arith.constant 7 : i32
      %shift_right_arithmetic3A_635 = arith.shrsi %reduce_max3A_381, %shift_right_arithmetic3A_634 : i32
      %shift_left3A_636 = arith.constant 7 : i32
      %shift_left3A_637 = arith.shli %shift_right_arithmetic3A_635, %shift_left3A_636 : i32
      %multiple_of3A_638 = tpu.assume_multiple %shift_left3A_637, 128 : i32
      %dma_start3A_639 = arith.constant 0 : i32
      %dma_start3A_640 = tpu.memref_slice %arg2[%dma_start3A_639, %multiple_of3A_638] : memref<32x1000000xf32, #tpu.memory_space<hbm>> -> memref<32x128xf32, #tpu.memory_space<hbm>>
      %dma_start3A_641 = arith.constant 0 : i32
      %dma_start3A_642 = tpu.memref_slice %arg2[%dma_start3A_641, %multiple_of3A_638] : memref<32x1000000xf32, #tpu.memory_space<hbm>> -> memref<32x128xf32, #tpu.memory_space<hbm>>
      tpu.enqueue_dma source(%dma_start3A_642 : memref<32x128xf32, #tpu.memory_space<hbm>>) target(%arg6 : memref<32x128xf32, #tpu.memory_space<vmem>>) target_semaphore(%arg15 : memref<!tpu.dma_semaphore, #tpu.memory_space<semaphore_mem>>)
      %dma_wait3A_643 = arith.constant 0 : i32
      %dma_wait3A_644 = arith.constant 0 : i32
      %dma_wait3A_645 = tpu.memref_slice %arg2[%dma_wait3A_643, %dma_wait3A_644] : memref<32x1000000xf32, #tpu.memory_space<hbm>> -> memref<32x128xf32, #tpu.memory_space<hbm>>
      %dma_wait3A_646 = arith.constant 0 : i32
      %dma_wait3A_647 = arith.constant 0 : i32
      %dma_wait3A_648 = tpu.memref_slice %arg2[%dma_wait3A_646, %dma_wait3A_647] : memref<32x1000000xf32, #tpu.memory_space<hbm>> -> memref<32x128xf32, #tpu.memory_space<hbm>>
      tpu.wait_dma2 semaphore(%arg16 : memref<!tpu.dma_semaphore, #tpu.memory_space<semaphore_mem>>) src(%dma_wait3A_648 : memref<32x128xf32, #tpu.memory_space<hbm>>) dst(%arg7 : memref<32x128xf32, #tpu.memory_space<vmem>>)
      %and3A_649 = arith.constant 127 : i32
      %and3A_650 = arith.andi %reduce_max3A_283, %and3A_649 : i32
      %broadcast_in_dim3A_651 = vector.broadcast %and3A_650 : i32 to vector<16xi32>
      %add3A_652 = arith.constant 1 : i32
      %add3A_653 = arith.addi %mul3A_253, %add3A_652 : i32
      %broadcast_in_dim3A_654 = vector.broadcast %add3A_653 : i32 to vector<16xi32>
      %add3A_655 = arith.constant 0 : i32
      %add3A_656 = vector.broadcast %add3A_655 : i32 to vector<16xi32>
      %add3A_657 = arith.addi %iota3A, %add3A_656 : vector<16xi32>
      %gather3A_658 = tpu.vector_load_idx %arg7[%add3A_657, %broadcast_in_dim3A_651] : memref<32x128xf32, #tpu.memory_space<vmem>>[vector<16xi32>, vector<16xi32>], vector<16xf32>,
      %add3A_659 = arith.constant 0 : i32
      %add3A_660 = vector.broadcast %add3A_659 : i32 to vector<16xi32>
      %add3A_661 = arith.addi %select_n3A, %add3A_660 : vector<16xi32>
      tpu.vector_store_idx %arg14[%add3A_661, %select_n3A_45, %broadcast_in_dim3A_654], %gather3A_658 : memref<4x8x512xf32, #tpu.memory_space<vmem>>[vector<16xi32>, vector<16xi32>, vector<16xi32>], vector<16xf32>,
      %add3A_662 = arith.constant 16 : i32
      %add3A_663 = vector.broadcast %add3A_662 : i32 to vector<16xi32>
      %add3A_664 = arith.addi %iota3A, %add3A_663 : vector<16xi32>
      %gather3A_665 = tpu.vector_load_idx %arg7[%add3A_664, %broadcast_in_dim3A_651] : memref<32x128xf32, #tpu.memory_space<vmem>>[vector<16xi32>, vector<16xi32>], vector<16xf32>,
      %add3A_666 = arith.constant 2 : i32
      %add3A_667 = vector.broadcast %add3A_666 : i32 to vector<16xi32>
      %add3A_668 = arith.addi %select_n3A, %add3A_667 : vector<16xi32>
      tpu.vector_store_idx %arg14[%add3A_668, %select_n3A_45, %broadcast_in_dim3A_654], %gather3A_665 : memref<4x8x512xf32, #tpu.memory_space<vmem>>[vector<16xi32>, vector<16xi32>, vector<16xi32>], vector<16xf32>,
      %shift_right_arithmetic3A_669 = arith.constant 7 : i32
      %shift_right_arithmetic3A_670 = arith.shrsi %reduce_max3A_395, %shift_right_arithmetic3A_669 : i32
      %shift_left3A_671 = arith.constant 7 : i32
      %shift_left3A_672 = arith.shli %shift_right_arithmetic3A_670, %shift_left3A_671 : i32
      %multiple_of3A_673 = tpu.assume_multiple %shift_left3A_672, 128 : i32
      %dma_start3A_674 = arith.constant 0 : i32
      %dma_start3A_675 = tpu.memref_slice %arg2[%dma_start3A_674, %multiple_of3A_673] : memref<32x1000000xf32, #tpu.memory_space<hbm>> -> memref<32x128xf32, #tpu.memory_space<hbm>>
      %dma_start3A_676 = arith.constant 0 : i32
      %dma_start3A_677 = tpu.memref_slice %arg2[%dma_start3A_676, %multiple_of3A_673] : memref<32x1000000xf32, #tpu.memory_space<hbm>> -> memref<32x128xf32, #tpu.memory_space<hbm>>
      tpu.enqueue_dma source(%dma_start3A_677 : memref<32x128xf32, #tpu.memory_space<hbm>>) target(%arg7 : memref<32x128xf32, #tpu.memory_space<vmem>>) target_semaphore(%arg16 : memref<!tpu.dma_semaphore, #tpu.memory_space<semaphore_mem>>)
      %dma_wait3A_678 = arith.constant 0 : i32
      %dma_wait3A_679 = arith.constant 0 : i32
      %dma_wait3A_680 = tpu.memref_slice %arg2[%dma_wait3A_678, %dma_wait3A_679] : memref<32x1000000xf32, #tpu.memory_space<hbm>> -> memref<32x128xf32, #tpu.memory_space<hbm>>
      %dma_wait3A_681 = arith.constant 0 : i32
      %dma_wait3A_682 = arith.constant 0 : i32
      %dma_wait3A_683 = tpu.memref_slice %arg2[%dma_wait3A_681, %dma_wait3A_682] : memref<32x1000000xf32, #tpu.memory_space<hbm>> -> memref<32x128xf32, #tpu.memory_space<hbm>>
      tpu.wait_dma2 semaphore(%arg17 : memref<!tpu.dma_semaphore, #tpu.memory_space<semaphore_mem>>) src(%dma_wait3A_683 : memref<32x128xf32, #tpu.memory_space<hbm>>) dst(%arg8 : memref<32x128xf32, #tpu.memory_space<vmem>>)
      %and3A_684 = arith.constant 127 : i32
      %and3A_685 = arith.andi %reduce_max3A_297, %and3A_684 : i32
      %broadcast_in_dim3A_686 = vector.broadcast %and3A_685 : i32 to vector<16xi32>
      %add3A_687 = arith.constant 2 : i32
      %add3A_688 = arith.addi %mul3A_253, %add3A_687 : i32
      %broadcast_in_dim3A_689 = vector.broadcast %add3A_688 : i32 to vector<16xi32>
      %add3A_690 = arith.constant 0 : i32
      %add3A_691 = vector.broadcast %add3A_690 : i32 to vector<16xi32>
      %add3A_692 = arith.addi %iota3A, %add3A_691 : vector<16xi32>
      %gather3A_693 = tpu.vector_load_idx %arg8[%add3A_692, %broadcast_in_dim3A_686] : memref<32x128xf32, #tpu.memory_space<vmem>>[vector<16xi32>, vector<16xi32>], vector<16xf32>,
      %add3A_694 = arith.constant 0 : i32
      %add3A_695 = vector.broadcast %add3A_694 : i32 to vector<16xi32>
      %add3A_696 = arith.addi %select_n3A, %add3A_695 : vector<16xi32>
      tpu.vector_store_idx %arg14[%add3A_696, %select_n3A_45, %broadcast_in_dim3A_689], %gather3A_693 : memref<4x8x512xf32, #tpu.memory_space<vmem>>[vector<16xi32>, vector<16xi32>, vector<16xi32>], vector<16xf32>,
      %add3A_697 = arith.constant 16 : i32
      %add3A_698 = vector.broadcast %add3A_697 : i32 to vector<16xi32>
      %add3A_699 = arith.addi %iota3A, %add3A_698 : vector<16xi32>
      %gather3A_700 = tpu.vector_load_idx %arg8[%add3A_699, %broadcast_in_dim3A_686] : memref<32x128xf32, #tpu.memory_space<vmem>>[vector<16xi32>, vector<16xi32>], vector<16xf32>,
      %add3A_701 = arith.constant 2 : i32
      %add3A_702 = vector.broadcast %add3A_701 : i32 to vector<16xi32>
      %add3A_703 = arith.addi %select_n3A, %add3A_702 : vector<16xi32>
      tpu.vector_store_idx %arg14[%add3A_703, %select_n3A_45, %broadcast_in_dim3A_689], %gather3A_700 : memref<4x8x512xf32, #tpu.memory_space<vmem>>[vector<16xi32>, vector<16xi32>, vector<16xi32>], vector<16xf32>,
      %shift_right_arithmetic3A_704 = arith.constant 7 : i32
      %shift_right_arithmetic3A_705 = arith.shrsi %reduce_max3A_409, %shift_right_arithmetic3A_704 : i32
      %shift_left3A_706 = arith.constant 7 : i32
      %shift_left3A_707 = arith.shli %shift_right_arithmetic3A_705, %shift_left3A_706 : i32
      %multiple_of3A_708 = tpu.assume_multiple %shift_left3A_707, 128 : i32
      %dma_start3A_709 = arith.constant 0 : i32
      %dma_start3A_710 = tpu.memref_slice %arg2[%dma_start3A_709, %multiple_of3A_708] : memref<32x1000000xf32, #tpu.memory_space<hbm>> -> memref<32x128xf32, #tpu.memory_space<hbm>>
      %dma_start3A_711 = arith.constant 0 : i32
      %dma_start3A_712 = tpu.memref_slice %arg2[%dma_start3A_711, %multiple_of3A_708] : memref<32x1000000xf32, #tpu.memory_space<hbm>> -> memref<32x128xf32, #tpu.memory_space<hbm>>
      tpu.enqueue_dma source(%dma_start3A_712 : memref<32x128xf32, #tpu.memory_space<hbm>>) target(%arg8 : memref<32x128xf32, #tpu.memory_space<vmem>>) target_semaphore(%arg17 : memref<!tpu.dma_semaphore, #tpu.memory_space<semaphore_mem>>)
      %dma_wait3A_713 = arith.constant 0 : i32
      %dma_wait3A_714 = arith.constant 0 : i32
      %dma_wait3A_715 = tpu.memref_slice %arg2[%dma_wait3A_713, %dma_wait3A_714] : memref<32x1000000xf32, #tpu.memory_space<hbm>> -> memref<32x128xf32, #tpu.memory_space<hbm>>
      %dma_wait3A_716 = arith.constant 0 : i32
      %dma_wait3A_717 = arith.constant 0 : i32
      %dma_wait3A_718 = tpu.memref_slice %arg2[%dma_wait3A_716, %dma_wait3A_717] : memref<32x1000000xf32, #tpu.memory_space<hbm>> -> memref<32x128xf32, #tpu.memory_space<hbm>>
      tpu.wait_dma2 semaphore(%arg18 : memref<!tpu.dma_semaphore, #tpu.memory_space<semaphore_mem>>) src(%dma_wait3A_718 : memref<32x128xf32, #tpu.memory_space<hbm>>) dst(%arg9 : memref<32x128xf32, #tpu.memory_space<vmem>>)
      %and3A_719 = arith.constant 127 : i32
      %and3A_720 = arith.andi %reduce_max3A_311, %and3A_719 : i32
      %broadcast_in_dim3A_721 = vector.broadcast %and3A_720 : i32 to vector<16xi32>
      %add3A_722 = arith.constant 3 : i32
      %add3A_723 = arith.addi %mul3A_253, %add3A_722 : i32
      %broadcast_in_dim3A_724 = vector.broadcast %add3A_723 : i32 to vector<16xi32>
      %add3A_725 = arith.constant 0 : i32
      %add3A_726 = vector.broadcast %add3A_725 : i32 to vector<16xi32>
      %add3A_727 = arith.addi %iota3A, %add3A_726 : vector<16xi32>
      %gather3A_728 = tpu.vector_load_idx %arg9[%add3A_727, %broadcast_in_dim3A_721] : memref<32x128xf32, #tpu.memory_space<vmem>>[vector<16xi32>, vector<16xi32>], vector<16xf32>,
      %add3A_729 = arith.constant 0 : i32
      %add3A_730 = vector.broadcast %add3A_729 : i32 to vector<16xi32>
      %add3A_731 = arith.addi %select_n3A, %add3A_730 : vector<16xi32>
      tpu.vector_store_idx %arg14[%add3A_731, %select_n3A_45, %broadcast_in_dim3A_724], %gather3A_728 : memref<4x8x512xf32, #tpu.memory_space<vmem>>[vector<16xi32>, vector<16xi32>, vector<16xi32>], vector<16xf32>,
      %add3A_732 = arith.constant 16 : i32
      %add3A_733 = vector.broadcast %add3A_732 : i32 to vector<16xi32>
      %add3A_734 = arith.addi %iota3A, %add3A_733 : vector<16xi32>
      %gather3A_735 = tpu.vector_load_idx %arg9[%add3A_734, %broadcast_in_dim3A_721] : memref<32x128xf32, #tpu.memory_space<vmem>>[vector<16xi32>, vector<16xi32>], vector<16xf32>,
      %add3A_736 = arith.constant 2 : i32
      %add3A_737 = vector.broadcast %add3A_736 : i32 to vector<16xi32>
      %add3A_738 = arith.addi %select_n3A, %add3A_737 : vector<16xi32>
      tpu.vector_store_idx %arg14[%add3A_738, %select_n3A_45, %broadcast_in_dim3A_724], %gather3A_735 : memref<4x8x512xf32, #tpu.memory_space<vmem>>[vector<16xi32>, vector<16xi32>, vector<16xi32>], vector<16xf32>,
      %shift_right_arithmetic3A_739 = arith.constant 7 : i32
      %shift_right_arithmetic3A_740 = arith.shrsi %reduce_max3A_423, %shift_right_arithmetic3A_739 : i32
      %shift_left3A_741 = arith.constant 7 : i32
      %shift_left3A_742 = arith.shli %shift_right_arithmetic3A_740, %shift_left3A_741 : i32
      %multiple_of3A_743 = tpu.assume_multiple %shift_left3A_742, 128 : i32
      %dma_start3A_744 = arith.constant 0 : i32
      %dma_start3A_745 = tpu.memref_slice %arg2[%dma_start3A_744, %multiple_of3A_743] : memref<32x1000000xf32, #tpu.memory_space<hbm>> -> memref<32x128xf32, #tpu.memory_space<hbm>>
      %dma_start3A_746 = arith.constant 0 : i32
      %dma_start3A_747 = tpu.memref_slice %arg2[%dma_start3A_746, %multiple_of3A_743] : memref<32x1000000xf32, #tpu.memory_space<hbm>> -> memref<32x128xf32, #tpu.memory_space<hbm>>
      tpu.enqueue_dma source(%dma_start3A_747 : memref<32x128xf32, #tpu.memory_space<hbm>>) target(%arg9 : memref<32x128xf32, #tpu.memory_space<vmem>>) target_semaphore(%arg18 : memref<!tpu.dma_semaphore, #tpu.memory_space<semaphore_mem>>)
      %dma_wait3A_748 = arith.constant 0 : i32
      %dma_wait3A_749 = arith.constant 0 : i32
      %dma_wait3A_750 = tpu.memref_slice %arg2[%dma_wait3A_748, %dma_wait3A_749] : memref<32x1000000xf32, #tpu.memory_space<hbm>> -> memref<32x128xf32, #tpu.memory_space<hbm>>
      %dma_wait3A_751 = arith.constant 0 : i32
      %dma_wait3A_752 = arith.constant 0 : i32
      %dma_wait3A_753 = tpu.memref_slice %arg2[%dma_wait3A_751, %dma_wait3A_752] : memref<32x1000000xf32, #tpu.memory_space<hbm>> -> memref<32x128xf32, #tpu.memory_space<hbm>>
      tpu.wait_dma2 semaphore(%arg19 : memref<!tpu.dma_semaphore, #tpu.memory_space<semaphore_mem>>) src(%dma_wait3A_753 : memref<32x128xf32, #tpu.memory_space<hbm>>) dst(%arg10 : memref<32x128xf32, #tpu.memory_space<vmem>>)
      %and3A_754 = arith.constant 127 : i32
      %and3A_755 = arith.andi %reduce_max3A_325, %and3A_754 : i32
      %broadcast_in_dim3A_756 = vector.broadcast %and3A_755 : i32 to vector<16xi32>
      %add3A_757 = arith.constant 4 : i32
      %add3A_758 = arith.addi %mul3A_253, %add3A_757 : i32
      %broadcast_in_dim3A_759 = vector.broadcast %add3A_758 : i32 to vector<16xi32>
      %add3A_760 = arith.constant 0 : i32
      %add3A_761 = vector.broadcast %add3A_760 : i32 to vector<16xi32>
      %add3A_762 = arith.addi %iota3A, %add3A_761 : vector<16xi32>
      %gather3A_763 = tpu.vector_load_idx %arg10[%add3A_762, %broadcast_in_dim3A_756] : memref<32x128xf32, #tpu.memory_space<vmem>>[vector<16xi32>, vector<16xi32>], vector<16xf32>,
      %add3A_764 = arith.constant 0 : i32
      %add3A_765 = vector.broadcast %add3A_764 : i32 to vector<16xi32>
      %add3A_766 = arith.addi %select_n3A, %add3A_765 : vector<16xi32>
      tpu.vector_store_idx %arg14[%add3A_766, %select_n3A_45, %broadcast_in_dim3A_759], %gather3A_763 : memref<4x8x512xf32, #tpu.memory_space<vmem>>[vector<16xi32>, vector<16xi32>, vector<16xi32>], vector<16xf32>,
      %add3A_767 = arith.constant 16 : i32
      %add3A_768 = vector.broadcast %add3A_767 : i32 to vector<16xi32>
      %add3A_769 = arith.addi %iota3A, %add3A_768 : vector<16xi32>
      %gather3A_770 = tpu.vector_load_idx %arg10[%add3A_769, %broadcast_in_dim3A_756] : memref<32x128xf32, #tpu.memory_space<vmem>>[vector<16xi32>, vector<16xi32>], vector<16xf32>,
      %add3A_771 = arith.constant 2 : i32
      %add3A_772 = vector.broadcast %add3A_771 : i32 to vector<16xi32>
      %add3A_773 = arith.addi %select_n3A, %add3A_772 : vector<16xi32>
      tpu.vector_store_idx %arg14[%add3A_773, %select_n3A_45, %broadcast_in_dim3A_759], %gather3A_770 : memref<4x8x512xf32, #tpu.memory_space<vmem>>[vector<16xi32>, vector<16xi32>, vector<16xi32>], vector<16xf32>,
      %shift_right_arithmetic3A_774 = arith.constant 7 : i32
      %shift_right_arithmetic3A_775 = arith.shrsi %reduce_max3A_437, %shift_right_arithmetic3A_774 : i32
      %shift_left3A_776 = arith.constant 7 : i32
      %shift_left3A_777 = arith.shli %shift_right_arithmetic3A_775, %shift_left3A_776 : i32
      %multiple_of3A_778 = tpu.assume_multiple %shift_left3A_777, 128 : i32
      %dma_start3A_779 = arith.constant 0 : i32
      %dma_start3A_780 = tpu.memref_slice %arg2[%dma_start3A_779, %multiple_of3A_778] : memref<32x1000000xf32, #tpu.memory_space<hbm>> -> memref<32x128xf32, #tpu.memory_space<hbm>>
      %dma_start3A_781 = arith.constant 0 : i32
      %dma_start3A_782 = tpu.memref_slice %arg2[%dma_start3A_781, %multiple_of3A_778] : memref<32x1000000xf32, #tpu.memory_space<hbm>> -> memref<32x128xf32, #tpu.memory_space<hbm>>
      tpu.enqueue_dma source(%dma_start3A_782 : memref<32x128xf32, #tpu.memory_space<hbm>>) target(%arg10 : memref<32x128xf32, #tpu.memory_space<vmem>>) target_semaphore(%arg19 : memref<!tpu.dma_semaphore, #tpu.memory_space<semaphore_mem>>)
      %dma_wait3A_783 = arith.constant 0 : i32
      %dma_wait3A_784 = arith.constant 0 : i32
      %dma_wait3A_785 = tpu.memref_slice %arg2[%dma_wait3A_783, %dma_wait3A_784] : memref<32x1000000xf32, #tpu.memory_space<hbm>> -> memref<32x128xf32, #tpu.memory_space<hbm>>
      %dma_wait3A_786 = arith.constant 0 : i32
      %dma_wait3A_787 = arith.constant 0 : i32
      %dma_wait3A_788 = tpu.memref_slice %arg2[%dma_wait3A_786, %dma_wait3A_787] : memref<32x1000000xf32, #tpu.memory_space<hbm>> -> memref<32x128xf32, #tpu.memory_space<hbm>>
      tpu.wait_dma2 semaphore(%arg20 : memref<!tpu.dma_semaphore, #tpu.memory_space<semaphore_mem>>) src(%dma_wait3A_788 : memref<32x128xf32, #tpu.memory_space<hbm>>) dst(%arg11 : memref<32x128xf32, #tpu.memory_space<vmem>>)
      %and3A_789 = arith.constant 127 : i32
      %and3A_790 = arith.andi %reduce_max3A_339, %and3A_789 : i32
      %broadcast_in_dim3A_791 = vector.broadcast %and3A_790 : i32 to vector<16xi32>
      %add3A_792 = arith.constant 5 : i32
      %add3A_793 = arith.addi %mul3A_253, %add3A_792 : i32
      %broadcast_in_dim3A_794 = vector.broadcast %add3A_793 : i32 to vector<16xi32>
      %add3A_795 = arith.constant 0 : i32
      %add3A_796 = vector.broadcast %add3A_795 : i32 to vector<16xi32>
      %add3A_797 = arith.addi %iota3A, %add3A_796 : vector<16xi32>
      %gather3A_798 = tpu.vector_load_idx %arg11[%add3A_797, %broadcast_in_dim3A_791] : memref<32x128xf32, #tpu.memory_space<vmem>>[vector<16xi32>, vector<16xi32>], vector<16xf32>,
      %add3A_799 = arith.constant 0 : i32
      %add3A_800 = vector.broadcast %add3A_799 : i32 to vector<16xi32>
      %add3A_801 = arith.addi %select_n3A, %add3A_800 : vector<16xi32>
      tpu.vector_store_idx %arg14[%add3A_801, %select_n3A_45, %broadcast_in_dim3A_794], %gather3A_798 : memref<4x8x512xf32, #tpu.memory_space<vmem>>[vector<16xi32>, vector<16xi32>, vector<16xi32>], vector<16xf32>,
      %add3A_802 = arith.constant 16 : i32
      %add3A_803 = vector.broadcast %add3A_802 : i32 to vector<16xi32>
      %add3A_804 = arith.addi %iota3A, %add3A_803 : vector<16xi32>
      %gather3A_805 = tpu.vector_load_idx %arg11[%add3A_804, %broadcast_in_dim3A_791] : memref<32x128xf32, #tpu.memory_space<vmem>>[vector<16xi32>, vector<16xi32>], vector<16xf32>,
      %add3A_806 = arith.constant 2 : i32
      %add3A_807 = vector.broadcast %add3A_806 : i32 to vector<16xi32>
      %add3A_808 = arith.addi %select_n3A, %add3A_807 : vector<16xi32>
      tpu.vector_store_idx %arg14[%add3A_808, %select_n3A_45, %broadcast_in_dim3A_794], %gather3A_805 : memref<4x8x512xf32, #tpu.memory_space<vmem>>[vector<16xi32>, vector<16xi32>, vector<16xi32>], vector<16xf32>,
      %shift_right_arithmetic3A_809 = arith.constant 7 : i32
      %shift_right_arithmetic3A_810 = arith.shrsi %reduce_max3A_451, %shift_right_arithmetic3A_809 : i32
      %shift_left3A_811 = arith.constant 7 : i32
      %shift_left3A_812 = arith.shli %shift_right_arithmetic3A_810, %shift_left3A_811 : i32
      %multiple_of3A_813 = tpu.assume_multiple %shift_left3A_812, 128 : i32
      %dma_start3A_814 = arith.constant 0 : i32
      %dma_start3A_815 = tpu.memref_slice %arg2[%dma_start3A_814, %multiple_of3A_813] : memref<32x1000000xf32, #tpu.memory_space<hbm>> -> memref<32x128xf32, #tpu.memory_space<hbm>>
      %dma_start3A_816 = arith.constant 0 : i32
      %dma_start3A_817 = tpu.memref_slice %arg2[%dma_start3A_816, %multiple_of3A_813] : memref<32x1000000xf32, #tpu.memory_space<hbm>> -> memref<32x128xf32, #tpu.memory_space<hbm>>
      tpu.enqueue_dma source(%dma_start3A_817 : memref<32x128xf32, #tpu.memory_space<hbm>>) target(%arg11 : memref<32x128xf32, #tpu.memory_space<vmem>>) target_semaphore(%arg20 : memref<!tpu.dma_semaphore, #tpu.memory_space<semaphore_mem>>)
      %dma_wait3A_818 = arith.constant 0 : i32
      %dma_wait3A_819 = arith.constant 0 : i32
      %dma_wait3A_820 = tpu.memref_slice %arg2[%dma_wait3A_818, %dma_wait3A_819] : memref<32x1000000xf32, #tpu.memory_space<hbm>> -> memref<32x128xf32, #tpu.memory_space<hbm>>
      %dma_wait3A_821 = arith.constant 0 : i32
      %dma_wait3A_822 = arith.constant 0 : i32
      %dma_wait3A_823 = tpu.memref_slice %arg2[%dma_wait3A_821, %dma_wait3A_822] : memref<32x1000000xf32, #tpu.memory_space<hbm>> -> memref<32x128xf32, #tpu.memory_space<hbm>>
      tpu.wait_dma2 semaphore(%arg21 : memref<!tpu.dma_semaphore, #tpu.memory_space<semaphore_mem>>) src(%dma_wait3A_823 : memref<32x128xf32, #tpu.memory_space<hbm>>) dst(%arg12 : memref<32x128xf32, #tpu.memory_space<vmem>>)
      %and3A_824 = arith.constant 127 : i32
      %and3A_825 = arith.andi %reduce_max3A_353, %and3A_824 : i32
      %broadcast_in_dim3A_826 = vector.broadcast %and3A_825 : i32 to vector<16xi32>
      %add3A_827 = arith.constant 6 : i32
      %add3A_828 = arith.addi %mul3A_253, %add3A_827 : i32
      %broadcast_in_dim3A_829 = vector.broadcast %add3A_828 : i32 to vector<16xi32>
      %add3A_830 = arith.constant 0 : i32
      %add3A_831 = vector.broadcast %add3A_830 : i32 to vector<16xi32>
      %add3A_832 = arith.addi %iota3A, %add3A_831 : vector<16xi32>
      %gather3A_833 = tpu.vector_load_idx %arg12[%add3A_832, %broadcast_in_dim3A_826] : memref<32x128xf32, #tpu.memory_space<vmem>>[vector<16xi32>, vector<16xi32>], vector<16xf32>,
      %add3A_834 = arith.constant 0 : i32
      %add3A_835 = vector.broadcast %add3A_834 : i32 to vector<16xi32>
      %add3A_836 = arith.addi %select_n3A, %add3A_835 : vector<16xi32>
      tpu.vector_store_idx %arg14[%add3A_836, %select_n3A_45, %broadcast_in_dim3A_829], %gather3A_833 : memref<4x8x512xf32, #tpu.memory_space<vmem>>[vector<16xi32>, vector<16xi32>, vector<16xi32>], vector<16xf32>,
      %add3A_837 = arith.constant 16 : i32
      %add3A_838 = vector.broadcast %add3A_837 : i32 to vector<16xi32>
      %add3A_839 = arith.addi %iota3A, %add3A_838 : vector<16xi32>
      %gather3A_840 = tpu.vector_load_idx %arg12[%add3A_839, %broadcast_in_dim3A_826] : memref<32x128xf32, #tpu.memory_space<vmem>>[vector<16xi32>, vector<16xi32>], vector<16xf32>,
      %add3A_841 = arith.constant 2 : i32
      %add3A_842 = vector.broadcast %add3A_841 : i32 to vector<16xi32>
      %add3A_843 = arith.addi %select_n3A, %add3A_842 : vector<16xi32>
      tpu.vector_store_idx %arg14[%add3A_843, %select_n3A_45, %broadcast_in_dim3A_829], %gather3A_840 : memref<4x8x512xf32, #tpu.memory_space<vmem>>[vector<16xi32>, vector<16xi32>, vector<16xi32>], vector<16xf32>,
      %shift_right_arithmetic3A_844 = arith.constant 7 : i32
      %shift_right_arithmetic3A_845 = arith.shrsi %reduce_max3A_465, %shift_right_arithmetic3A_844 : i32
      %shift_left3A_846 = arith.constant 7 : i32
      %shift_left3A_847 = arith.shli %shift_right_arithmetic3A_845, %shift_left3A_846 : i32
      %multiple_of3A_848 = tpu.assume_multiple %shift_left3A_847, 128 : i32
      %dma_start3A_849 = arith.constant 0 : i32
      %dma_start3A_850 = tpu.memref_slice %arg2[%dma_start3A_849, %multiple_of3A_848] : memref<32x1000000xf32, #tpu.memory_space<hbm>> -> memref<32x128xf32, #tpu.memory_space<hbm>>
      %dma_start3A_851 = arith.constant 0 : i32
      %dma_start3A_852 = tpu.memref_slice %arg2[%dma_start3A_851, %multiple_of3A_848] : memref<32x1000000xf32, #tpu.memory_space<hbm>> -> memref<32x128xf32, #tpu.memory_space<hbm>>
      tpu.enqueue_dma source(%dma_start3A_852 : memref<32x128xf32, #tpu.memory_space<hbm>>) target(%arg12 : memref<32x128xf32, #tpu.memory_space<vmem>>) target_semaphore(%arg21 : memref<!tpu.dma_semaphore, #tpu.memory_space<semaphore_mem>>)
      %dma_wait3A_853 = arith.constant 0 : i32
      %dma_wait3A_854 = arith.constant 0 : i32
      %dma_wait3A_855 = tpu.memref_slice %arg2[%dma_wait3A_853, %dma_wait3A_854] : memref<32x1000000xf32, #tpu.memory_space<hbm>> -> memref<32x128xf32, #tpu.memory_space<hbm>>
      %dma_wait3A_856 = arith.constant 0 : i32
      %dma_wait3A_857 = arith.constant 0 : i32
      %dma_wait3A_858 = tpu.memref_slice %arg2[%dma_wait3A_856, %dma_wait3A_857] : memref<32x1000000xf32, #tpu.memory_space<hbm>> -> memref<32x128xf32, #tpu.memory_space<hbm>>
      tpu.wait_dma2 semaphore(%arg22 : memref<!tpu.dma_semaphore, #tpu.memory_space<semaphore_mem>>) src(%dma_wait3A_858 : memref<32x128xf32, #tpu.memory_space<hbm>>) dst(%arg13 : memref<32x128xf32, #tpu.memory_space<vmem>>)
      %and3A_859 = arith.constant 127 : i32
      %and3A_860 = arith.andi %reduce_max3A_367, %and3A_859 : i32
      %broadcast_in_dim3A_861 = vector.broadcast %and3A_860 : i32 to vector<16xi32>
      %add3A_862 = arith.constant 7 : i32
      %add3A_863 = arith.addi %mul3A_253, %add3A_862 : i32
      %broadcast_in_dim3A_864 = vector.broadcast %add3A_863 : i32 to vector<16xi32>
      %add3A_865 = arith.constant 0 : i32
      %add3A_866 = vector.broadcast %add3A_865 : i32 to vector<16xi32>
      %add3A_867 = arith.addi %iota3A, %add3A_866 : vector<16xi32>
      %gather3A_868 = tpu.vector_load_idx %arg13[%add3A_867, %broadcast_in_dim3A_861] : memref<32x128xf32, #tpu.memory_space<vmem>>[vector<16xi32>, vector<16xi32>], vector<16xf32>,
      %add3A_869 = arith.constant 0 : i32
      %add3A_870 = vector.broadcast %add3A_869 : i32 to vector<16xi32>
      %add3A_871 = arith.addi %select_n3A, %add3A_870 : vector<16xi32>
      tpu.vector_store_idx %arg14[%add3A_871, %select_n3A_45, %broadcast_in_dim3A_864], %gather3A_868 : memref<4x8x512xf32, #tpu.memory_space<vmem>>[vector<16xi32>, vector<16xi32>, vector<16xi32>], vector<16xf32>,
      %add3A_872 = arith.constant 16 : i32
      %add3A_873 = vector.broadcast %add3A_872 : i32 to vector<16xi32>
      %add3A_874 = arith.addi %iota3A, %add3A_873 : vector<16xi32>
      %gather3A_875 = tpu.vector_load_idx %arg13[%add3A_874, %broadcast_in_dim3A_861] : memref<32x128xf32, #tpu.memory_space<vmem>>[vector<16xi32>, vector<16xi32>], vector<16xf32>,
      %add3A_876 = arith.constant 2 : i32
      %add3A_877 = vector.broadcast %add3A_876 : i32 to vector<16xi32>
      %add3A_878 = arith.addi %select_n3A, %add3A_877 : vector<16xi32>
      tpu.vector_store_idx %arg14[%add3A_878, %select_n3A_45, %broadcast_in_dim3A_864], %gather3A_875 : memref<4x8x512xf32, #tpu.memory_space<vmem>>[vector<16xi32>, vector<16xi32>, vector<16xi32>], vector<16xf32>,
      %shift_right_arithmetic3A_879 = arith.constant 7 : i32
      %shift_right_arithmetic3A_880 = arith.shrsi %reduce_max3A_479, %shift_right_arithmetic3A_879 : i32
      %shift_left3A_881 = arith.constant 7 : i32
      %shift_left3A_882 = arith.shli %shift_right_arithmetic3A_880, %shift_left3A_881 : i32
      %multiple_of3A_883 = tpu.assume_multiple %shift_left3A_882, 128 : i32
      %dma_start3A_884 = arith.constant 0 : i32
      %dma_start3A_885 = tpu.memref_slice %arg2[%dma_start3A_884, %multiple_of3A_883] : memref<32x1000000xf32, #tpu.memory_space<hbm>> -> memref<32x128xf32, #tpu.memory_space<hbm>>
      %dma_start3A_886 = arith.constant 0 : i32
      %dma_start3A_887 = tpu.memref_slice %arg2[%dma_start3A_886, %multiple_of3A_883] : memref<32x1000000xf32, #tpu.memory_space<hbm>> -> memref<32x128xf32, #tpu.memory_space<hbm>>
      tpu.enqueue_dma source(%dma_start3A_887 : memref<32x128xf32, #tpu.memory_space<hbm>>) target(%arg13 : memref<32x128xf32, #tpu.memory_space<vmem>>) target_semaphore(%arg22 : memref<!tpu.dma_semaphore, #tpu.memory_space<semaphore_mem>>)
      %dma_wait3A_888 = arith.constant 0 : i32
      %dma_wait3A_889 = arith.constant 0 : i32
      %dma_wait3A_890 = tpu.memref_slice %arg2[%dma_wait3A_888, %dma_wait3A_889] : memref<32x1000000xf32, #tpu.memory_space<hbm>> -> memref<32x128xf32, #tpu.memory_space<hbm>>
      %dma_wait3A_891 = arith.constant 0 : i32
      %dma_wait3A_892 = arith.constant 0 : i32
      %dma_wait3A_893 = tpu.memref_slice %arg2[%dma_wait3A_891, %dma_wait3A_892] : memref<32x1000000xf32, #tpu.memory_space<hbm>> -> memref<32x128xf32, #tpu.memory_space<hbm>>
      tpu.wait_dma2 semaphore(%arg15 : memref<!tpu.dma_semaphore, #tpu.memory_space<semaphore_mem>>) src(%dma_wait3A_893 : memref<32x128xf32, #tpu.memory_space<hbm>>) dst(%arg6 : memref<32x128xf32, #tpu.memory_space<vmem>>)
      %and3A_894 = arith.constant 127 : i32
      %and3A_895 = arith.andi %reduce_max3A_381, %and3A_894 : i32
      %broadcast_in_dim3A_896 = vector.broadcast %and3A_895 : i32 to vector<16xi32>
      %add3A_897 = arith.constant 8 : i32
      %add3A_898 = arith.addi %mul3A_253, %add3A_897 : i32
      %broadcast_in_dim3A_899 = vector.broadcast %add3A_898 : i32 to vector<16xi32>
      %add3A_900 = arith.constant 0 : i32
      %add3A_901 = vector.broadcast %add3A_900 : i32 to vector<16xi32>
      %add3A_902 = arith.addi %iota3A, %add3A_901 : vector<16xi32>
      %gather3A_903 = tpu.vector_load_idx %arg6[%add3A_902, %broadcast_in_dim3A_896] : memref<32x128xf32, #tpu.memory_space<vmem>>[vector<16xi32>, vector<16xi32>], vector<16xf32>,
      %add3A_904 = arith.constant 0 : i32
      %add3A_905 = vector.broadcast %add3A_904 : i32 to vector<16xi32>
      %add3A_906 = arith.addi %select_n3A, %add3A_905 : vector<16xi32>
      tpu.vector_store_idx %arg14[%add3A_906, %select_n3A_45, %broadcast_in_dim3A_899], %gather3A_903 : memref<4x8x512xf32, #tpu.memory_space<vmem>>[vector<16xi32>, vector<16xi32>, vector<16xi32>], vector<16xf32>,
      %add3A_907 = arith.constant 16 : i32
      %add3A_908 = vector.broadcast %add3A_907 : i32 to vector<16xi32>
      %add3A_909 = arith.addi %iota3A, %add3A_908 : vector<16xi32>
      %gather3A_910 = tpu.vector_load_idx %arg6[%add3A_909, %broadcast_in_dim3A_896] : memref<32x128xf32, #tpu.memory_space<vmem>>[vector<16xi32>, vector<16xi32>], vector<16xf32>,
      %add3A_911 = arith.constant 2 : i32
      %add3A_912 = vector.broadcast %add3A_911 : i32 to vector<16xi32>
      %add3A_913 = arith.addi %select_n3A, %add3A_912 : vector<16xi32>
      tpu.vector_store_idx %arg14[%add3A_913, %select_n3A_45, %broadcast_in_dim3A_899], %gather3A_910 : memref<4x8x512xf32, #tpu.memory_space<vmem>>[vector<16xi32>, vector<16xi32>, vector<16xi32>], vector<16xf32>,
      %shift_right_arithmetic3A_914 = arith.constant 7 : i32
      %shift_right_arithmetic3A_915 = arith.shrsi %select_n3A_503, %shift_right_arithmetic3A_914 : i32
      %shift_left3A_916 = arith.constant 7 : i32
      %shift_left3A_917 = arith.shli %shift_right_arithmetic3A_915, %shift_left3A_916 : i32
      %multiple_of3A_918 = tpu.assume_multiple %shift_left3A_917, 128 : i32
      %dma_start3A_919 = arith.constant 0 : i32
      %dma_start3A_920 = tpu.memref_slice %arg2[%dma_start3A_919, %multiple_of3A_918] : memref<32x1000000xf32, #tpu.memory_space<hbm>> -> memref<32x128xf32, #tpu.memory_space<hbm>>
      %dma_start3A_921 = arith.constant 0 : i32
      %dma_start3A_922 = tpu.memref_slice %arg2[%dma_start3A_921, %multiple_of3A_918] : memref<32x1000000xf32, #tpu.memory_space<hbm>> -> memref<32x128xf32, #tpu.memory_space<hbm>>
      tpu.enqueue_dma source(%dma_start3A_922 : memref<32x128xf32, #tpu.memory_space<hbm>>) target(%arg6 : memref<32x128xf32, #tpu.memory_space<vmem>>) target_semaphore(%arg15 : memref<!tpu.dma_semaphore, #tpu.memory_space<semaphore_mem>>)
      %dma_wait3A_923 = arith.constant 0 : i32
      %dma_wait3A_924 = arith.constant 0 : i32
      %dma_wait3A_925 = tpu.memref_slice %arg2[%dma_wait3A_923, %dma_wait3A_924] : memref<32x1000000xf32, #tpu.memory_space<hbm>> -> memref<32x128xf32, #tpu.memory_space<hbm>>
      %dma_wait3A_926 = arith.constant 0 : i32
      %dma_wait3A_927 = arith.constant 0 : i32
      %dma_wait3A_928 = tpu.memref_slice %arg2[%dma_wait3A_926, %dma_wait3A_927] : memref<32x1000000xf32, #tpu.memory_space<hbm>> -> memref<32x128xf32, #tpu.memory_space<hbm>>
      tpu.wait_dma2 semaphore(%arg16 : memref<!tpu.dma_semaphore, #tpu.memory_space<semaphore_mem>>) src(%dma_wait3A_928 : memref<32x128xf32, #tpu.memory_space<hbm>>) dst(%arg7 : memref<32x128xf32, #tpu.memory_space<vmem>>)
      %and3A_929 = arith.constant 127 : i32
      %and3A_930 = arith.andi %reduce_max3A_395, %and3A_929 : i32
      %broadcast_in_dim3A_931 = vector.broadcast %and3A_930 : i32 to vector<16xi32>
      %add3A_932 = arith.constant 9 : i32
      %add3A_933 = arith.addi %mul3A_253, %add3A_932 : i32
      %broadcast_in_dim3A_934 = vector.broadcast %add3A_933 : i32 to vector<16xi32>
      %add3A_935 = arith.constant 0 : i32
      %add3A_936 = vector.broadcast %add3A_935 : i32 to vector<16xi32>
      %add3A_937 = arith.addi %iota3A, %add3A_936 : vector<16xi32>
      %gather3A_938 = tpu.vector_load_idx %arg7[%add3A_937, %broadcast_in_dim3A_931] : memref<32x128xf32, #tpu.memory_space<vmem>>[vector<16xi32>, vector<16xi32>], vector<16xf32>,
      %add3A_939 = arith.constant 0 : i32
      %add3A_940 = vector.broadcast %add3A_939 : i32 to vector<16xi32>
      %add3A_941 = arith.addi %select_n3A, %add3A_940 : vector<16xi32>
      tpu.vector_store_idx %arg14[%add3A_941, %select_n3A_45, %broadcast_in_dim3A_934], %gather3A_938 : memref<4x8x512xf32, #tpu.memory_space<vmem>>[vector<16xi32>, vector<16xi32>, vector<16xi32>], vector<16xf32>,
      %add3A_942 = arith.constant 16 : i32
      %add3A_943 = vector.broadcast %add3A_942 : i32 to vector<16xi32>
      %add3A_944 = arith.addi %iota3A, %add3A_943 : vector<16xi32>
      %gather3A_945 = tpu.vector_load_idx %arg7[%add3A_944, %broadcast_in_dim3A_931] : memref<32x128xf32, #tpu.memory_space<vmem>>[vector<16xi32>, vector<16xi32>], vector<16xf32>,
      %add3A_946 = arith.constant 2 : i32
      %add3A_947 = vector.broadcast %add3A_946 : i32 to vector<16xi32>
      %add3A_948 = arith.addi %select_n3A, %add3A_947 : vector<16xi32>
      tpu.vector_store_idx %arg14[%add3A_948, %select_n3A_45, %broadcast_in_dim3A_934], %gather3A_945 : memref<4x8x512xf32, #tpu.memory_space<vmem>>[vector<16xi32>, vector<16xi32>, vector<16xi32>], vector<16xf32>,
      %shift_right_arithmetic3A_949 = arith.constant 7 : i32
      %shift_right_arithmetic3A_950 = arith.shrsi %select_n3A_519, %shift_right_arithmetic3A_949 : i32
      %shift_left3A_951 = arith.constant 7 : i32
      %shift_left3A_952 = arith.shli %shift_right_arithmetic3A_950, %shift_left3A_951 : i32
      %multiple_of3A_953 = tpu.assume_multiple %shift_left3A_952, 128 : i32
      %dma_start3A_954 = arith.constant 0 : i32
      %dma_start3A_955 = tpu.memref_slice %arg2[%dma_start3A_954, %multiple_of3A_953] : memref<32x1000000xf32, #tpu.memory_space<hbm>> -> memref<32x128xf32, #tpu.memory_space<hbm>>
      %dma_start3A_956 = arith.constant 0 : i32
      %dma_start3A_957 = tpu.memref_slice %arg2[%dma_start3A_956, %multiple_of3A_953] : memref<32x1000000xf32, #tpu.memory_space<hbm>> -> memref<32x128xf32, #tpu.memory_space<hbm>>
      tpu.enqueue_dma source(%dma_start3A_957 : memref<32x128xf32, #tpu.memory_space<hbm>>) target(%arg7 : memref<32x128xf32, #tpu.memory_space<vmem>>) target_semaphore(%arg16 : memref<!tpu.dma_semaphore, #tpu.memory_space<semaphore_mem>>)
      %dma_wait3A_958 = arith.constant 0 : i32
      %dma_wait3A_959 = arith.constant 0 : i32
      %dma_wait3A_960 = tpu.memref_slice %arg2[%dma_wait3A_958, %dma_wait3A_959] : memref<32x1000000xf32, #tpu.memory_space<hbm>> -> memref<32x128xf32, #tpu.memory_space<hbm>>
      %dma_wait3A_961 = arith.constant 0 : i32
      %dma_wait3A_962 = arith.constant 0 : i32
      %dma_wait3A_963 = tpu.memref_slice %arg2[%dma_wait3A_961, %dma_wait3A_962] : memref<32x1000000xf32, #tpu.memory_space<hbm>> -> memref<32x128xf32, #tpu.memory_space<hbm>>
      tpu.wait_dma2 semaphore(%arg17 : memref<!tpu.dma_semaphore, #tpu.memory_space<semaphore_mem>>) src(%dma_wait3A_963 : memref<32x128xf32, #tpu.memory_space<hbm>>) dst(%arg8 : memref<32x128xf32, #tpu.memory_space<vmem>>)
      %and3A_964 = arith.constant 127 : i32
      %and3A_965 = arith.andi %reduce_max3A_409, %and3A_964 : i32
      %broadcast_in_dim3A_966 = vector.broadcast %and3A_965 : i32 to vector<16xi32>
      %add3A_967 = arith.constant 10 : i32
      %add3A_968 = arith.addi %mul3A_253, %add3A_967 : i32
      %broadcast_in_dim3A_969 = vector.broadcast %add3A_968 : i32 to vector<16xi32>
      %add3A_970 = arith.constant 0 : i32
      %add3A_971 = vector.broadcast %add3A_970 : i32 to vector<16xi32>
      %add3A_972 = arith.addi %iota3A, %add3A_971 : vector<16xi32>
      %gather3A_973 = tpu.vector_load_idx %arg8[%add3A_972, %broadcast_in_dim3A_966] : memref<32x128xf32, #tpu.memory_space<vmem>>[vector<16xi32>, vector<16xi32>], vector<16xf32>,
      %add3A_974 = arith.constant 0 : i32
      %add3A_975 = vector.broadcast %add3A_974 : i32 to vector<16xi32>
      %add3A_976 = arith.addi %select_n3A, %add3A_975 : vector<16xi32>
      tpu.vector_store_idx %arg14[%add3A_976, %select_n3A_45, %broadcast_in_dim3A_969], %gather3A_973 : memref<4x8x512xf32, #tpu.memory_space<vmem>>[vector<16xi32>, vector<16xi32>, vector<16xi32>], vector<16xf32>,
      %add3A_977 = arith.constant 16 : i32
      %add3A_978 = vector.broadcast %add3A_977 : i32 to vector<16xi32>
      %add3A_979 = arith.addi %iota3A, %add3A_978 : vector<16xi32>
      %gather3A_980 = tpu.vector_load_idx %arg8[%add3A_979, %broadcast_in_dim3A_966] : memref<32x128xf32, #tpu.memory_space<vmem>>[vector<16xi32>, vector<16xi32>], vector<16xf32>,
      %add3A_981 = arith.constant 2 : i32
      %add3A_982 = vector.broadcast %add3A_981 : i32 to vector<16xi32>
      %add3A_983 = arith.addi %select_n3A, %add3A_982 : vector<16xi32>
      tpu.vector_store_idx %arg14[%add3A_983, %select_n3A_45, %broadcast_in_dim3A_969], %gather3A_980 : memref<4x8x512xf32, #tpu.memory_space<vmem>>[vector<16xi32>, vector<16xi32>, vector<16xi32>], vector<16xf32>,
      %shift_right_arithmetic3A_984 = arith.constant 7 : i32
      %shift_right_arithmetic3A_985 = arith.shrsi %select_n3A_535, %shift_right_arithmetic3A_984 : i32
      %shift_left3A_986 = arith.constant 7 : i32
      %shift_left3A_987 = arith.shli %shift_right_arithmetic3A_985, %shift_left3A_986 : i32
      %multiple_of3A_988 = tpu.assume_multiple %shift_left3A_987, 128 : i32
      %dma_start3A_989 = arith.constant 0 : i32
      %dma_start3A_990 = tpu.memref_slice %arg2[%dma_start3A_989, %multiple_of3A_988] : memref<32x1000000xf32, #tpu.memory_space<hbm>> -> memref<32x128xf32, #tpu.memory_space<hbm>>
      %dma_start3A_991 = arith.constant 0 : i32
      %dma_start3A_992 = tpu.memref_slice %arg2[%dma_start3A_991, %multiple_of3A_988] : memref<32x1000000xf32, #tpu.memory_space<hbm>> -> memref<32x128xf32, #tpu.memory_space<hbm>>
      tpu.enqueue_dma source(%dma_start3A_992 : memref<32x128xf32, #tpu.memory_space<hbm>>) target(%arg8 : memref<32x128xf32, #tpu.memory_space<vmem>>) target_semaphore(%arg17 : memref<!tpu.dma_semaphore, #tpu.memory_space<semaphore_mem>>)
      %dma_wait3A_993 = arith.constant 0 : i32
      %dma_wait3A_994 = arith.constant 0 : i32
      %dma_wait3A_995 = tpu.memref_slice %arg2[%dma_wait3A_993, %dma_wait3A_994] : memref<32x1000000xf32, #tpu.memory_space<hbm>> -> memref<32x128xf32, #tpu.memory_space<hbm>>
      %dma_wait3A_996 = arith.constant 0 : i32
      %dma_wait3A_997 = arith.constant 0 : i32
      %dma_wait3A_998 = tpu.memref_slice %arg2[%dma_wait3A_996, %dma_wait3A_997] : memref<32x1000000xf32, #tpu.memory_space<hbm>> -> memref<32x128xf32, #tpu.memory_space<hbm>>
      tpu.wait_dma2 semaphore(%arg18 : memref<!tpu.dma_semaphore, #tpu.memory_space<semaphore_mem>>) src(%dma_wait3A_998 : memref<32x128xf32, #tpu.memory_space<hbm>>) dst(%arg9 : memref<32x128xf32, #tpu.memory_space<vmem>>)
      %and3A_999 = arith.constant 127 : i32
      %and3A_1000 = arith.andi %reduce_max3A_423, %and3A_999 : i32
      %broadcast_in_dim3A_1001 = vector.broadcast %and3A_1000 : i32 to vector<16xi32>
      %add3A_1002 = arith.constant 11 : i32
      %add3A_1003 = arith.addi %mul3A_253, %add3A_1002 : i32
      %broadcast_in_dim3A_1004 = vector.broadcast %add3A_1003 : i32 to vector<16xi32>
      %add3A_1005 = arith.constant 0 : i32
      %add3A_1006 = vector.broadcast %add3A_1005 : i32 to vector<16xi32>
      %add3A_1007 = arith.addi %iota3A, %add3A_1006 : vector<16xi32>
      %gather3A_1008 = tpu.vector_load_idx %arg9[%add3A_1007, %broadcast_in_dim3A_1001] : memref<32x128xf32, #tpu.memory_space<vmem>>[vector<16xi32>, vector<16xi32>], vector<16xf32>,
      %add3A_1009 = arith.constant 0 : i32
      %add3A_1010 = vector.broadcast %add3A_1009 : i32 to vector<16xi32>
      %add3A_1011 = arith.addi %select_n3A, %add3A_1010 : vector<16xi32>
      tpu.vector_store_idx %arg14[%add3A_1011, %select_n3A_45, %broadcast_in_dim3A_1004], %gather3A_1008 : memref<4x8x512xf32, #tpu.memory_space<vmem>>[vector<16xi32>, vector<16xi32>, vector<16xi32>], vector<16xf32>,
      %add3A_1012 = arith.constant 16 : i32
      %add3A_1013 = vector.broadcast %add3A_1012 : i32 to vector<16xi32>
      %add3A_1014 = arith.addi %iota3A, %add3A_1013 : vector<16xi32>
      %gather3A_1015 = tpu.vector_load_idx %arg9[%add3A_1014, %broadcast_in_dim3A_1001] : memref<32x128xf32, #tpu.memory_space<vmem>>[vector<16xi32>, vector<16xi32>], vector<16xf32>,
      %add3A_1016 = arith.constant 2 : i32
      %add3A_1017 = vector.broadcast %add3A_1016 : i32 to vector<16xi32>
      %add3A_1018 = arith.addi %select_n3A, %add3A_1017 : vector<16xi32>
      tpu.vector_store_idx %arg14[%add3A_1018, %select_n3A_45, %broadcast_in_dim3A_1004], %gather3A_1015 : memref<4x8x512xf32, #tpu.memory_space<vmem>>[vector<16xi32>, vector<16xi32>, vector<16xi32>], vector<16xf32>,
      %shift_right_arithmetic3A_1019 = arith.constant 7 : i32
      %shift_right_arithmetic3A_1020 = arith.shrsi %select_n3A_551, %shift_right_arithmetic3A_1019 : i32
      %shift_left3A_1021 = arith.constant 7 : i32
      %shift_left3A_1022 = arith.shli %shift_right_arithmetic3A_1020, %shift_left3A_1021 : i32
      %multiple_of3A_1023 = tpu.assume_multiple %shift_left3A_1022, 128 : i32
      %dma_start3A_1024 = arith.constant 0 : i32
      %dma_start3A_1025 = tpu.memref_slice %arg2[%dma_start3A_1024, %multiple_of3A_1023] : memref<32x1000000xf32, #tpu.memory_space<hbm>> -> memref<32x128xf32, #tpu.memory_space<hbm>>
      %dma_start3A_1026 = arith.constant 0 : i32
      %dma_start3A_1027 = tpu.memref_slice %arg2[%dma_start3A_1026, %multiple_of3A_1023] : memref<32x1000000xf32, #tpu.memory_space<hbm>> -> memref<32x128xf32, #tpu.memory_space<hbm>>
      tpu.enqueue_dma source(%dma_start3A_1027 : memref<32x128xf32, #tpu.memory_space<hbm>>) target(%arg9 : memref<32x128xf32, #tpu.memory_space<vmem>>) target_semaphore(%arg18 : memref<!tpu.dma_semaphore, #tpu.memory_space<semaphore_mem>>)
      %dma_wait3A_1028 = arith.constant 0 : i32
      %dma_wait3A_1029 = arith.constant 0 : i32
      %dma_wait3A_1030 = tpu.memref_slice %arg2[%dma_wait3A_1028, %dma_wait3A_1029] : memref<32x1000000xf32, #tpu.memory_space<hbm>> -> memref<32x128xf32, #tpu.memory_space<hbm>>
      %dma_wait3A_1031 = arith.constant 0 : i32
      %dma_wait3A_1032 = arith.constant 0 : i32
      %dma_wait3A_1033 = tpu.memref_slice %arg2[%dma_wait3A_1031, %dma_wait3A_1032] : memref<32x1000000xf32, #tpu.memory_space<hbm>> -> memref<32x128xf32, #tpu.memory_space<hbm>>
      tpu.wait_dma2 semaphore(%arg19 : memref<!tpu.dma_semaphore, #tpu.memory_space<semaphore_mem>>) src(%dma_wait3A_1033 : memref<32x128xf32, #tpu.memory_space<hbm>>) dst(%arg10 : memref<32x128xf32, #tpu.memory_space<vmem>>)
      %and3A_1034 = arith.constant 127 : i32
      %and3A_1035 = arith.andi %reduce_max3A_437, %and3A_1034 : i32
      %broadcast_in_dim3A_1036 = vector.broadcast %and3A_1035 : i32 to vector<16xi32>
      %add3A_1037 = arith.constant 12 : i32
      %add3A_1038 = arith.addi %mul3A_253, %add3A_1037 : i32
      %broadcast_in_dim3A_1039 = vector.broadcast %add3A_1038 : i32 to vector<16xi32>
      %add3A_1040 = arith.constant 0 : i32
      %add3A_1041 = vector.broadcast %add3A_1040 : i32 to vector<16xi32>
      %add3A_1042 = arith.addi %iota3A, %add3A_1041 : vector<16xi32>
      %gather3A_1043 = tpu.vector_load_idx %arg10[%add3A_1042, %broadcast_in_dim3A_1036] : memref<32x128xf32, #tpu.memory_space<vmem>>[vector<16xi32>, vector<16xi32>], vector<16xf32>,
      %add3A_1044 = arith.constant 0 : i32
      %add3A_1045 = vector.broadcast %add3A_1044 : i32 to vector<16xi32>
      %add3A_1046 = arith.addi %select_n3A, %add3A_1045 : vector<16xi32>
      tpu.vector_store_idx %arg14[%add3A_1046, %select_n3A_45, %broadcast_in_dim3A_1039], %gather3A_1043 : memref<4x8x512xf32, #tpu.memory_space<vmem>>[vector<16xi32>, vector<16xi32>, vector<16xi32>], vector<16xf32>,
      %add3A_1047 = arith.constant 16 : i32
      %add3A_1048 = vector.broadcast %add3A_1047 : i32 to vector<16xi32>
      %add3A_1049 = arith.addi %iota3A, %add3A_1048 : vector<16xi32>
      %gather3A_1050 = tpu.vector_load_idx %arg10[%add3A_1049, %broadcast_in_dim3A_1036] : memref<32x128xf32, #tpu.memory_space<vmem>>[vector<16xi32>, vector<16xi32>], vector<16xf32>,
      %add3A_1051 = arith.constant 2 : i32
      %add3A_1052 = vector.broadcast %add3A_1051 : i32 to vector<16xi32>
      %add3A_1053 = arith.addi %select_n3A, %add3A_1052 : vector<16xi32>
      tpu.vector_store_idx %arg14[%add3A_1053, %select_n3A_45, %broadcast_in_dim3A_1039], %gather3A_1050 : memref<4x8x512xf32, #tpu.memory_space<vmem>>[vector<16xi32>, vector<16xi32>, vector<16xi32>], vector<16xf32>,
      %shift_right_arithmetic3A_1054 = arith.constant 7 : i32
      %shift_right_arithmetic3A_1055 = arith.shrsi %select_n3A_567, %shift_right_arithmetic3A_1054 : i32
      %shift_left3A_1056 = arith.constant 7 : i32
      %shift_left3A_1057 = arith.shli %shift_right_arithmetic3A_1055, %shift_left3A_1056 : i32
      %multiple_of3A_1058 = tpu.assume_multiple %shift_left3A_1057, 128 : i32
      %dma_start3A_1059 = arith.constant 0 : i32
      %dma_start3A_1060 = tpu.memref_slice %arg2[%dma_start3A_1059, %multiple_of3A_1058] : memref<32x1000000xf32, #tpu.memory_space<hbm>> -> memref<32x128xf32, #tpu.memory_space<hbm>>
      %dma_start3A_1061 = arith.constant 0 : i32
      %dma_start3A_1062 = tpu.memref_slice %arg2[%dma_start3A_1061, %multiple_of3A_1058] : memref<32x1000000xf32, #tpu.memory_space<hbm>> -> memref<32x128xf32, #tpu.memory_space<hbm>>
      tpu.enqueue_dma source(%dma_start3A_1062 : memref<32x128xf32, #tpu.memory_space<hbm>>) target(%arg10 : memref<32x128xf32, #tpu.memory_space<vmem>>) target_semaphore(%arg19 : memref<!tpu.dma_semaphore, #tpu.memory_space<semaphore_mem>>)
      %dma_wait3A_1063 = arith.constant 0 : i32
      %dma_wait3A_1064 = arith.constant 0 : i32
      %dma_wait3A_1065 = tpu.memref_slice %arg2[%dma_wait3A_1063, %dma_wait3A_1064] : memref<32x1000000xf32, #tpu.memory_space<hbm>> -> memref<32x128xf32, #tpu.memory_space<hbm>>
      %dma_wait3A_1066 = arith.constant 0 : i32
      %dma_wait3A_1067 = arith.constant 0 : i32
      %dma_wait3A_1068 = tpu.memref_slice %arg2[%dma_wait3A_1066, %dma_wait3A_1067] : memref<32x1000000xf32, #tpu.memory_space<hbm>> -> memref<32x128xf32, #tpu.memory_space<hbm>>
      tpu.wait_dma2 semaphore(%arg20 : memref<!tpu.dma_semaphore, #tpu.memory_space<semaphore_mem>>) src(%dma_wait3A_1068 : memref<32x128xf32, #tpu.memory_space<hbm>>) dst(%arg11 : memref<32x128xf32, #tpu.memory_space<vmem>>)
      %and3A_1069 = arith.constant 127 : i32
      %and3A_1070 = arith.andi %reduce_max3A_451, %and3A_1069 : i32
      %broadcast_in_dim3A_1071 = vector.broadcast %and3A_1070 : i32 to vector<16xi32>
      %add3A_1072 = arith.constant 13 : i32
      %add3A_1073 = arith.addi %mul3A_253, %add3A_1072 : i32
      %broadcast_in_dim3A_1074 = vector.broadcast %add3A_1073 : i32 to vector<16xi32>
      %add3A_1075 = arith.constant 0 : i32
      %add3A_1076 = vector.broadcast %add3A_1075 : i32 to vector<16xi32>
      %add3A_1077 = arith.addi %iota3A, %add3A_1076 : vector<16xi32>
      %gather3A_1078 = tpu.vector_load_idx %arg11[%add3A_1077, %broadcast_in_dim3A_1071] : memref<32x128xf32, #tpu.memory_space<vmem>>[vector<16xi32>, vector<16xi32>], vector<16xf32>,
      %add3A_1079 = arith.constant 0 : i32
      %add3A_1080 = vector.broadcast %add3A_1079 : i32 to vector<16xi32>
      %add3A_1081 = arith.addi %select_n3A, %add3A_1080 : vector<16xi32>
      tpu.vector_store_idx %arg14[%add3A_1081, %select_n3A_45, %broadcast_in_dim3A_1074], %gather3A_1078 : memref<4x8x512xf32, #tpu.memory_space<vmem>>[vector<16xi32>, vector<16xi32>, vector<16xi32>], vector<16xf32>,
      %add3A_1082 = arith.constant 16 : i32
      %add3A_1083 = vector.broadcast %add3A_1082 : i32 to vector<16xi32>
      %add3A_1084 = arith.addi %iota3A, %add3A_1083 : vector<16xi32>
      %gather3A_1085 = tpu.vector_load_idx %arg11[%add3A_1084, %broadcast_in_dim3A_1071] : memref<32x128xf32, #tpu.memory_space<vmem>>[vector<16xi32>, vector<16xi32>], vector<16xf32>,
      %add3A_1086 = arith.constant 2 : i32
      %add3A_1087 = vector.broadcast %add3A_1086 : i32 to vector<16xi32>
      %add3A_1088 = arith.addi %select_n3A, %add3A_1087 : vector<16xi32>
      tpu.vector_store_idx %arg14[%add3A_1088, %select_n3A_45, %broadcast_in_dim3A_1074], %gather3A_1085 : memref<4x8x512xf32, #tpu.memory_space<vmem>>[vector<16xi32>, vector<16xi32>, vector<16xi32>], vector<16xf32>,
      %shift_right_arithmetic3A_1089 = arith.constant 7 : i32
      %shift_right_arithmetic3A_1090 = arith.shrsi %select_n3A_583, %shift_right_arithmetic3A_1089 : i32
      %shift_left3A_1091 = arith.constant 7 : i32
      %shift_left3A_1092 = arith.shli %shift_right_arithmetic3A_1090, %shift_left3A_1091 : i32
      %multiple_of3A_1093 = tpu.assume_multiple %shift_left3A_1092, 128 : i32
      %dma_start3A_1094 = arith.constant 0 : i32
      %dma_start3A_1095 = tpu.memref_slice %arg2[%dma_start3A_1094, %multiple_of3A_1093] : memref<32x1000000xf32, #tpu.memory_space<hbm>> -> memref<32x128xf32, #tpu.memory_space<hbm>>
      %dma_start3A_1096 = arith.constant 0 : i32
      %dma_start3A_1097 = tpu.memref_slice %arg2[%dma_start3A_1096, %multiple_of3A_1093] : memref<32x1000000xf32, #tpu.memory_space<hbm>> -> memref<32x128xf32, #tpu.memory_space<hbm>>
      tpu.enqueue_dma source(%dma_start3A_1097 : memref<32x128xf32, #tpu.memory_space<hbm>>) target(%arg11 : memref<32x128xf32, #tpu.memory_space<vmem>>) target_semaphore(%arg20 : memref<!tpu.dma_semaphore, #tpu.memory_space<semaphore_mem>>)
      %dma_wait3A_1098 = arith.constant 0 : i32
      %dma_wait3A_1099 = arith.constant 0 : i32
      %dma_wait3A_1100 = tpu.memref_slice %arg2[%dma_wait3A_1098, %dma_wait3A_1099] : memref<32x1000000xf32, #tpu.memory_space<hbm>> -> memref<32x128xf32, #tpu.memory_space<hbm>>
      %dma_wait3A_1101 = arith.constant 0 : i32
      %dma_wait3A_1102 = arith.constant 0 : i32
      %dma_wait3A_1103 = tpu.memref_slice %arg2[%dma_wait3A_1101, %dma_wait3A_1102] : memref<32x1000000xf32, #tpu.memory_space<hbm>> -> memref<32x128xf32, #tpu.memory_space<hbm>>
      tpu.wait_dma2 semaphore(%arg21 : memref<!tpu.dma_semaphore, #tpu.memory_space<semaphore_mem>>) src(%dma_wait3A_1103 : memref<32x128xf32, #tpu.memory_space<hbm>>) dst(%arg12 : memref<32x128xf32, #tpu.memory_space<vmem>>)
      %and3A_1104 = arith.constant 127 : i32
      %and3A_1105 = arith.andi %reduce_max3A_465, %and3A_1104 : i32
      %broadcast_in_dim3A_1106 = vector.broadcast %and3A_1105 : i32 to vector<16xi32>
      %add3A_1107 = arith.constant 14 : i32
      %add3A_1108 = arith.addi %mul3A_253, %add3A_1107 : i32
      %broadcast_in_dim3A_1109 = vector.broadcast %add3A_1108 : i32 to vector<16xi32>
      %add3A_1110 = arith.constant 0 : i32
      %add3A_1111 = vector.broadcast %add3A_1110 : i32 to vector<16xi32>
      %add3A_1112 = arith.addi %iota3A, %add3A_1111 : vector<16xi32>
      %gather3A_1113 = tpu.vector_load_idx %arg12[%add3A_1112, %broadcast_in_dim3A_1106] : memref<32x128xf32, #tpu.memory_space<vmem>>[vector<16xi32>, vector<16xi32>], vector<16xf32>,
      %add3A_1114 = arith.constant 0 : i32
      %add3A_1115 = vector.broadcast %add3A_1114 : i32 to vector<16xi32>
      %add3A_1116 = arith.addi %select_n3A, %add3A_1115 : vector<16xi32>
      tpu.vector_store_idx %arg14[%add3A_1116, %select_n3A_45, %broadcast_in_dim3A_1109], %gather3A_1113 : memref<4x8x512xf32, #tpu.memory_space<vmem>>[vector<16xi32>, vector<16xi32>, vector<16xi32>], vector<16xf32>,
      %add3A_1117 = arith.constant 16 : i32
      %add3A_1118 = vector.broadcast %add3A_1117 : i32 to vector<16xi32>
      %add3A_1119 = arith.addi %iota3A, %add3A_1118 : vector<16xi32>
      %gather3A_1120 = tpu.vector_load_idx %arg12[%add3A_1119, %broadcast_in_dim3A_1106] : memref<32x128xf32, #tpu.memory_space<vmem>>[vector<16xi32>, vector<16xi32>], vector<16xf32>,
      %add3A_1121 = arith.constant 2 : i32
      %add3A_1122 = vector.broadcast %add3A_1121 : i32 to vector<16xi32>
      %add3A_1123 = arith.addi %select_n3A, %add3A_1122 : vector<16xi32>
      tpu.vector_store_idx %arg14[%add3A_1123, %select_n3A_45, %broadcast_in_dim3A_1109], %gather3A_1120 : memref<4x8x512xf32, #tpu.memory_space<vmem>>[vector<16xi32>, vector<16xi32>, vector<16xi32>], vector<16xf32>,
      %shift_right_arithmetic3A_1124 = arith.constant 7 : i32
      %shift_right_arithmetic3A_1125 = arith.shrsi %select_n3A_599, %shift_right_arithmetic3A_1124 : i32
      %shift_left3A_1126 = arith.constant 7 : i32
      %shift_left3A_1127 = arith.shli %shift_right_arithmetic3A_1125, %shift_left3A_1126 : i32
      %multiple_of3A_1128 = tpu.assume_multiple %shift_left3A_1127, 128 : i32
      %dma_start3A_1129 = arith.constant 0 : i32
      %dma_start3A_1130 = tpu.memref_slice %arg2[%dma_start3A_1129, %multiple_of3A_1128] : memref<32x1000000xf32, #tpu.memory_space<hbm>> -> memref<32x128xf32, #tpu.memory_space<hbm>>
      %dma_start3A_1131 = arith.constant 0 : i32
      %dma_start3A_1132 = tpu.memref_slice %arg2[%dma_start3A_1131, %multiple_of3A_1128] : memref<32x1000000xf32, #tpu.memory_space<hbm>> -> memref<32x128xf32, #tpu.memory_space<hbm>>
      tpu.enqueue_dma source(%dma_start3A_1132 : memref<32x128xf32, #tpu.memory_space<hbm>>) target(%arg12 : memref<32x128xf32, #tpu.memory_space<vmem>>) target_semaphore(%arg21 : memref<!tpu.dma_semaphore, #tpu.memory_space<semaphore_mem>>)
      %dma_wait3A_1133 = arith.constant 0 : i32
      %dma_wait3A_1134 = arith.constant 0 : i32
      %dma_wait3A_1135 = tpu.memref_slice %arg2[%dma_wait3A_1133, %dma_wait3A_1134] : memref<32x1000000xf32, #tpu.memory_space<hbm>> -> memref<32x128xf32, #tpu.memory_space<hbm>>
      %dma_wait3A_1136 = arith.constant 0 : i32
      %dma_wait3A_1137 = arith.constant 0 : i32
      %dma_wait3A_1138 = tpu.memref_slice %arg2[%dma_wait3A_1136, %dma_wait3A_1137] : memref<32x1000000xf32, #tpu.memory_space<hbm>> -> memref<32x128xf32, #tpu.memory_space<hbm>>
      tpu.wait_dma2 semaphore(%arg22 : memref<!tpu.dma_semaphore, #tpu.memory_space<semaphore_mem>>) src(%dma_wait3A_1138 : memref<32x128xf32, #tpu.memory_space<hbm>>) dst(%arg13 : memref<32x128xf32, #tpu.memory_space<vmem>>)
      %and3A_1139 = arith.constant 127 : i32
      %and3A_1140 = arith.andi %reduce_max3A_479, %and3A_1139 : i32
      %broadcast_in_dim3A_1141 = vector.broadcast %and3A_1140 : i32 to vector<16xi32>
      %add3A_1142 = arith.constant 15 : i32
      %add3A_1143 = arith.addi %mul3A_253, %add3A_1142 : i32
      %broadcast_in_dim3A_1144 = vector.broadcast %add3A_1143 : i32 to vector<16xi32>
      %add3A_1145 = arith.constant 0 : i32
      %add3A_1146 = vector.broadcast %add3A_1145 : i32 to vector<16xi32>
      %add3A_1147 = arith.addi %iota3A, %add3A_1146 : vector<16xi32>
      %gather3A_1148 = tpu.vector_load_idx %arg13[%add3A_1147, %broadcast_in_dim3A_1141] : memref<32x128xf32, #tpu.memory_space<vmem>>[vector<16xi32>, vector<16xi32>], vector<16xf32>,
      %add3A_1149 = arith.constant 0 : i32
      %add3A_1150 = vector.broadcast %add3A_1149 : i32 to vector<16xi32>
      %add3A_1151 = arith.addi %select_n3A, %add3A_1150 : vector<16xi32>
      tpu.vector_store_idx %arg14[%add3A_1151, %select_n3A_45, %broadcast_in_dim3A_1144], %gather3A_1148 : memref<4x8x512xf32, #tpu.memory_space<vmem>>[vector<16xi32>, vector<16xi32>, vector<16xi32>], vector<16xf32>,
      %add3A_1152 = arith.constant 16 : i32
      %add3A_1153 = vector.broadcast %add3A_1152 : i32 to vector<16xi32>
      %add3A_1154 = arith.addi %iota3A, %add3A_1153 : vector<16xi32>
      %gather3A_1155 = tpu.vector_load_idx %arg13[%add3A_1154, %broadcast_in_dim3A_1141] : memref<32x128xf32, #tpu.memory_space<vmem>>[vector<16xi32>, vector<16xi32>], vector<16xf32>,
      %add3A_1156 = arith.constant 2 : i32
      %add3A_1157 = vector.broadcast %add3A_1156 : i32 to vector<16xi32>
      %add3A_1158 = arith.addi %select_n3A, %add3A_1157 : vector<16xi32>
      tpu.vector_store_idx %arg14[%add3A_1158, %select_n3A_45, %broadcast_in_dim3A_1144], %gather3A_1155 : memref<4x8x512xf32, #tpu.memory_space<vmem>>[vector<16xi32>, vector<16xi32>, vector<16xi32>], vector<16xf32>,
    }
    %scan3A_206 = arith.constant 32 : i32
    %dma_wait3A = arith.constant 0 : i32
    %dma_wait3A_207 = arith.constant 0 : i32
    %dma_wait3A_208 = tpu.memref_slice %arg2[%dma_wait3A, %dma_wait3A_207] : memref<32x1000000xf32, #tpu.memory_space<hbm>> -> memref<32x128xf32, #tpu.memory_space<hbm>>
    %dma_wait3A_209 = arith.constant 0 : i32
    %dma_wait3A_210 = arith.constant 0 : i32
    %dma_wait3A_211 = tpu.memref_slice %arg2[%dma_wait3A_209, %dma_wait3A_210] : memref<32x1000000xf32, #tpu.memory_space<hbm>> -> memref<32x128xf32, #tpu.memory_space<hbm>>
    tpu.wait_dma2 semaphore(%arg15 : memref<!tpu.dma_semaphore, #tpu.memory_space<semaphore_mem>>) src(%dma_wait3A_211 : memref<32x128xf32, #tpu.memory_space<hbm>>) dst(%arg6 : memref<32x128xf32, #tpu.memory_space<vmem>>)
    %dma_wait3A_212 = arith.constant 0 : i32
    %dma_wait3A_213 = arith.constant 0 : i32
    %dma_wait3A_214 = tpu.memref_slice %arg2[%dma_wait3A_212, %dma_wait3A_213] : memref<32x1000000xf32, #tpu.memory_space<hbm>> -> memref<32x128xf32, #tpu.memory_space<hbm>>
    %dma_wait3A_215 = arith.constant 0 : i32
    %dma_wait3A_216 = arith.constant 0 : i32
    %dma_wait3A_217 = tpu.memref_slice %arg2[%dma_wait3A_215, %dma_wait3A_216] : memref<32x1000000xf32, #tpu.memory_space<hbm>> -> memref<32x128xf32, #tpu.memory_space<hbm>>
    tpu.wait_dma2 semaphore(%arg16 : memref<!tpu.dma_semaphore, #tpu.memory_space<semaphore_mem>>) src(%dma_wait3A_217 : memref<32x128xf32, #tpu.memory_space<hbm>>) dst(%arg7 : memref<32x128xf32, #tpu.memory_space<vmem>>)
    %dma_wait3A_218 = arith.constant 0 : i32
    %dma_wait3A_219 = arith.constant 0 : i32
    %dma_wait3A_220 = tpu.memref_slice %arg2[%dma_wait3A_218, %dma_wait3A_219] : memref<32x1000000xf32, #tpu.memory_space<hbm>> -> memref<32x128xf32, #tpu.memory_space<hbm>>
    %dma_wait3A_221 = arith.constant 0 : i32
    %dma_wait3A_222 = arith.constant 0 : i32
    %dma_wait3A_223 = tpu.memref_slice %arg2[%dma_wait3A_221, %dma_wait3A_222] : memref<32x1000000xf32, #tpu.memory_space<hbm>> -> memref<32x128xf32, #tpu.memory_space<hbm>>
    tpu.wait_dma2 semaphore(%arg17 : memref<!tpu.dma_semaphore, #tpu.memory_space<semaphore_mem>>) src(%dma_wait3A_223 : memref<32x128xf32, #tpu.memory_space<hbm>>) dst(%arg8 : memref<32x128xf32, #tpu.memory_space<vmem>>)
    %dma_wait3A_224 = arith.constant 0 : i32
    %dma_wait3A_225 = arith.constant 0 : i32
    %dma_wait3A_226 = tpu.memref_slice %arg2[%dma_wait3A_224, %dma_wait3A_225] : memref<32x1000000xf32, #tpu.memory_space<hbm>> -> memref<32x128xf32, #tpu.memory_space<hbm>>
    %dma_wait3A_227 = arith.constant 0 : i32
    %dma_wait3A_228 = arith.constant 0 : i32
    %dma_wait3A_229 = tpu.memref_slice %arg2[%dma_wait3A_227, %dma_wait3A_228] : memref<32x1000000xf32, #tpu.memory_space<hbm>> -> memref<32x128xf32, #tpu.memory_space<hbm>>
    tpu.wait_dma2 semaphore(%arg18 : memref<!tpu.dma_semaphore, #tpu.memory_space<semaphore_mem>>) src(%dma_wait3A_229 : memref<32x128xf32, #tpu.memory_space<hbm>>) dst(%arg9 : memref<32x128xf32, #tpu.memory_space<vmem>>)
    %dma_wait3A_230 = arith.constant 0 : i32
    %dma_wait3A_231 = arith.constant 0 : i32
    %dma_wait3A_232 = tpu.memref_slice %arg2[%dma_wait3A_230, %dma_wait3A_231] : memref<32x1000000xf32, #tpu.memory_space<hbm>> -> memref<32x128xf32, #tpu.memory_space<hbm>>
    %dma_wait3A_233 = arith.constant 0 : i32
    %dma_wait3A_234 = arith.constant 0 : i32
    %dma_wait3A_235 = tpu.memref_slice %arg2[%dma_wait3A_233, %dma_wait3A_234] : memref<32x1000000xf32, #tpu.memory_space<hbm>> -> memref<32x128xf32, #tpu.memory_space<hbm>>
    tpu.wait_dma2 semaphore(%arg19 : memref<!tpu.dma_semaphore, #tpu.memory_space<semaphore_mem>>) src(%dma_wait3A_235 : memref<32x128xf32, #tpu.memory_space<hbm>>) dst(%arg10 : memref<32x128xf32, #tpu.memory_space<vmem>>)
    %dma_wait3A_236 = arith.constant 0 : i32
    %dma_wait3A_237 = arith.constant 0 : i32
    %dma_wait3A_238 = tpu.memref_slice %arg2[%dma_wait3A_236, %dma_wait3A_237] : memref<32x1000000xf32, #tpu.memory_space<hbm>> -> memref<32x128xf32, #tpu.memory_space<hbm>>
    %dma_wait3A_239 = arith.constant 0 : i32
    %dma_wait3A_240 = arith.constant 0 : i32
    %dma_wait3A_241 = tpu.memref_slice %arg2[%dma_wait3A_239, %dma_wait3A_240] : memref<32x1000000xf32, #tpu.memory_space<hbm>> -> memref<32x128xf32, #tpu.memory_space<hbm>>
    tpu.wait_dma2 semaphore(%arg20 : memref<!tpu.dma_semaphore, #tpu.memory_space<semaphore_mem>>) src(%dma_wait3A_241 : memref<32x128xf32, #tpu.memory_space<hbm>>) dst(%arg11 : memref<32x128xf32, #tpu.memory_space<vmem>>)
    %dma_wait3A_242 = arith.constant 0 : i32
    %dma_wait3A_243 = arith.constant 0 : i32
    %dma_wait3A_244 = tpu.memref_slice %arg2[%dma_wait3A_242, %dma_wait3A_243] : memref<32x1000000xf32, #tpu.memory_space<hbm>> -> memref<32x128xf32, #tpu.memory_space<hbm>>
    %dma_wait3A_245 = arith.constant 0 : i32
    %dma_wait3A_246 = arith.constant 0 : i32
    %dma_wait3A_247 = tpu.memref_slice %arg2[%dma_wait3A_245, %dma_wait3A_246] : memref<32x1000000xf32, #tpu.memory_space<hbm>> -> memref<32x128xf32, #tpu.memory_space<hbm>>
    tpu.wait_dma2 semaphore(%arg21 : memref<!tpu.dma_semaphore, #tpu.memory_space<semaphore_mem>>) src(%dma_wait3A_247 : memref<32x128xf32, #tpu.memory_space<hbm>>) dst(%arg12 : memref<32x128xf32, #tpu.memory_space<vmem>>)
    %run_scoped3A = arith.constant 0 : i32
    "tpu.region"() ({
      %run_scoped3A_251 = tpu.sem_alloc : memref<!tpu.dma_semaphore, #tpu.memory_space<semaphore_mem>>
      %dma_start3A_252 = arith.constant 0 : i32
      %dma_start3A_253 = arith.constant 0 : i32
      %dma_start3A_254 = tpu.memref_slice %arg14[%run_scoped3A, %dma_start3A_252, %dma_start3A_253] : memref<4x8x512xf32, #tpu.memory_space<vmem>> -> memref<1x8x512xf32, #tpu.memory_space<vmem>>
      %dma_start3A_255 = tpu.memref_squeeze %dma_start3A_254 : memref<1x8x512xf32, #tpu.memory_space<vmem>> -> memref<8x512xf32, #tpu.memory_space<vmem>>
      %dma_start3A_256 = arith.constant 0 : i32
      %dma_start3A_257 = tpu.memref_slice %arg4[%dma_start3A_256, %mul3A_2] : memref<32x16384xf32, #tpu.memory_space<hbm>> -> memref<8x512xf32, #tpu.memory_space<hbm>>
      %dma_start3A_258 = arith.constant 0 : i32
      %dma_start3A_259 = tpu.memref_slice %arg4[%dma_start3A_258, %mul3A_2] : memref<32x16384xf32, #tpu.memory_space<hbm>> -> memref<8x512xf32, #tpu.memory_space<hbm>>
      %dma_start3A_260 = arith.constant 0 : i32
      %dma_start3A_261 = arith.constant 0 : i32
      %dma_start3A_262 = tpu.memref_slice %arg14[%run_scoped3A, %dma_start3A_260, %dma_start3A_261] : memref<4x8x512xf32, #tpu.memory_space<vmem>> -> memref<1x8x512xf32, #tpu.memory_space<vmem>>
      %dma_start3A_263 = tpu.memref_squeeze %dma_start3A_262 : memref<1x8x512xf32, #tpu.memory_space<vmem>> -> memref<8x512xf32, #tpu.memory_space<vmem>>
      tpu.enqueue_dma source(%dma_start3A_263 : memref<8x512xf32, #tpu.memory_space<vmem>>) target(%dma_start3A_259 : memref<8x512xf32, #tpu.memory_space<hbm>>) target_semaphore(%run_scoped3A_251 : memref<!tpu.dma_semaphore, #tpu.memory_space<semaphore_mem>>)
      %dma_wait3A_264 = arith.constant 0 : i32
      %dma_wait3A_265 = arith.constant 0 : i32
      %dma_wait3A_266 = tpu.memref_slice %arg14[%run_scoped3A, %dma_wait3A_264, %dma_wait3A_265] : memref<4x8x512xf32, #tpu.memory_space<vmem>> -> memref<1x8x512xf32, #tpu.memory_space<vmem>>
      %dma_wait3A_267 = tpu.memref_squeeze %dma_wait3A_266 : memref<1x8x512xf32, #tpu.memory_space<vmem>> -> memref<8x512xf32, #tpu.memory_space<vmem>>
      %dma_wait3A_268 = arith.constant 0 : i32
      %dma_wait3A_269 = tpu.memref_slice %arg4[%dma_wait3A_268, %mul3A_2] : memref<32x16384xf32, #tpu.memory_space<hbm>> -> memref<8x512xf32, #tpu.memory_space<hbm>>
      %dma_wait3A_270 = arith.constant 0 : i32
      %dma_wait3A_271 = tpu.memref_slice %arg4[%dma_wait3A_270, %mul3A_2] : memref<32x16384xf32, #tpu.memory_space<hbm>> -> memref<8x512xf32, #tpu.memory_space<hbm>>
      %dma_wait3A_272 = arith.constant 0 : i32
      %dma_wait3A_273 = arith.constant 0 : i32
      %dma_wait3A_274 = tpu.memref_slice %arg14[%run_scoped3A, %dma_wait3A_272, %dma_wait3A_273] : memref<4x8x512xf32, #tpu.memory_space<vmem>> -> memref<1x8x512xf32, #tpu.memory_space<vmem>>
      %dma_wait3A_275 = tpu.memref_squeeze %dma_wait3A_274 : memref<1x8x512xf32, #tpu.memory_space<vmem>> -> memref<8x512xf32, #tpu.memory_space<vmem>>
      tpu.wait_dma2 semaphore(%run_scoped3A_251 : memref<!tpu.dma_semaphore, #tpu.memory_space<semaphore_mem>>) src(%dma_wait3A_275 : memref<8x512xf32, #tpu.memory_space<vmem>>) dst(%dma_wait3A_271 : memref<8x512xf32, #tpu.memory_space<hbm>>)
      tpu.yield
    }) : () -> ()
    %run_scoped3A_248 = arith.constant 1 : i32
    "tpu.region"() ({
      %run_scoped3A_251 = tpu.sem_alloc : memref<!tpu.dma_semaphore, #tpu.memory_space<semaphore_mem>>
      %dma_start3A_252 = arith.constant 0 : i32
      %dma_start3A_253 = arith.constant 0 : i32
      %dma_start3A_254 = tpu.memref_slice %arg14[%run_scoped3A_248, %dma_start3A_252, %dma_start3A_253] : memref<4x8x512xf32, #tpu.memory_space<vmem>> -> memref<1x8x512xf32, #tpu.memory_space<vmem>>
      %dma_start3A_255 = tpu.memref_squeeze %dma_start3A_254 : memref<1x8x512xf32, #tpu.memory_space<vmem>> -> memref<8x512xf32, #tpu.memory_space<vmem>>
      %dma_start3A_256 = arith.constant 8 : i32
      %dma_start3A_257 = tpu.memref_slice %arg4[%dma_start3A_256, %mul3A_2] : memref<32x16384xf32, #tpu.memory_space<hbm>> -> memref<8x512xf32, #tpu.memory_space<hbm>>
      %dma_start3A_258 = arith.constant 8 : i32
      %dma_start3A_259 = tpu.memref_slice %arg4[%dma_start3A_258, %mul3A_2] : memref<32x16384xf32, #tpu.memory_space<hbm>> -> memref<8x512xf32, #tpu.memory_space<hbm>>
      %dma_start3A_260 = arith.constant 0 : i32
      %dma_start3A_261 = arith.constant 0 : i32
      %dma_start3A_262 = tpu.memref_slice %arg14[%run_scoped3A_248, %dma_start3A_260, %dma_start3A_261] : memref<4x8x512xf32, #tpu.memory_space<vmem>> -> memref<1x8x512xf32, #tpu.memory_space<vmem>>
      %dma_start3A_263 = tpu.memref_squeeze %dma_start3A_262 : memref<1x8x512xf32, #tpu.memory_space<vmem>> -> memref<8x512xf32, #tpu.memory_space<vmem>>
      tpu.enqueue_dma source(%dma_start3A_263 : memref<8x512xf32, #tpu.memory_space<vmem>>) target(%dma_start3A_259 : memref<8x512xf32, #tpu.memory_space<hbm>>) target_semaphore(%run_scoped3A_251 : memref<!tpu.dma_semaphore, #tpu.memory_space<semaphore_mem>>)
      %dma_wait3A_264 = arith.constant 0 : i32
      %dma_wait3A_265 = arith.constant 0 : i32
      %dma_wait3A_266 = tpu.memref_slice %arg14[%run_scoped3A_248, %dma_wait3A_264, %dma_wait3A_265] : memref<4x8x512xf32, #tpu.memory_space<vmem>> -> memref<1x8x512xf32, #tpu.memory_space<vmem>>
      %dma_wait3A_267 = tpu.memref_squeeze %dma_wait3A_266 : memref<1x8x512xf32, #tpu.memory_space<vmem>> -> memref<8x512xf32, #tpu.memory_space<vmem>>
      %dma_wait3A_268 = arith.constant 8 : i32
      %dma_wait3A_269 = tpu.memref_slice %arg4[%dma_wait3A_268, %mul3A_2] : memref<32x16384xf32, #tpu.memory_space<hbm>> -> memref<8x512xf32, #tpu.memory_space<hbm>>
      %dma_wait3A_270 = arith.constant 8 : i32
      %dma_wait3A_271 = tpu.memref_slice %arg4[%dma_wait3A_270, %mul3A_2] : memref<32x16384xf32, #tpu.memory_space<hbm>> -> memref<8x512xf32, #tpu.memory_space<hbm>>
      %dma_wait3A_272 = arith.constant 0 : i32
      %dma_wait3A_273 = arith.constant 0 : i32
      %dma_wait3A_274 = tpu.memref_slice %arg14[%run_scoped3A_248, %dma_wait3A_272, %dma_wait3A_273] : memref<4x8x512xf32, #tpu.memory_space<vmem>> -> memref<1x8x512xf32, #tpu.memory_space<vmem>>
      %dma_wait3A_275 = tpu.memref_squeeze %dma_wait3A_274 : memref<1x8x512xf32, #tpu.memory_space<vmem>> -> memref<8x512xf32, #tpu.memory_space<vmem>>
      tpu.wait_dma2 semaphore(%run_scoped3A_251 : memref<!tpu.dma_semaphore, #tpu.memory_space<semaphore_mem>>) src(%dma_wait3A_275 : memref<8x512xf32, #tpu.memory_space<vmem>>) dst(%dma_wait3A_271 : memref<8x512xf32, #tpu.memory_space<hbm>>)
      tpu.yield
    }) : () -> ()
    %run_scoped3A_249 = arith.constant 2 : i32
    "tpu.region"() ({
      %run_scoped3A_251 = tpu.sem_alloc : memref<!tpu.dma_semaphore, #tpu.memory_space<semaphore_mem>>
      %dma_start3A_252 = arith.constant 0 : i32
      %dma_start3A_253 = arith.constant 0 : i32
      %dma_start3A_254 = tpu.memref_slice %arg14[%run_scoped3A_249, %dma_start3A_252, %dma_start3A_253] : memref<4x8x512xf32, #tpu.memory_space<vmem>> -> memref<1x8x512xf32, #tpu.memory_space<vmem>>
      %dma_start3A_255 = tpu.memref_squeeze %dma_start3A_254 : memref<1x8x512xf32, #tpu.memory_space<vmem>> -> memref<8x512xf32, #tpu.memory_space<vmem>>
      %dma_start3A_256 = arith.constant 16 : i32
      %dma_start3A_257 = tpu.memref_slice %arg4[%dma_start3A_256, %mul3A_2] : memref<32x16384xf32, #tpu.memory_space<hbm>> -> memref<8x512xf32, #tpu.memory_space<hbm>>
      %dma_start3A_258 = arith.constant 16 : i32
      %dma_start3A_259 = tpu.memref_slice %arg4[%dma_start3A_258, %mul3A_2] : memref<32x16384xf32, #tpu.memory_space<hbm>> -> memref<8x512xf32, #tpu.memory_space<hbm>>
      %dma_start3A_260 = arith.constant 0 : i32
      %dma_start3A_261 = arith.constant 0 : i32
      %dma_start3A_262 = tpu.memref_slice %arg14[%run_scoped3A_249, %dma_start3A_260, %dma_start3A_261] : memref<4x8x512xf32, #tpu.memory_space<vmem>> -> memref<1x8x512xf32, #tpu.memory_space<vmem>>
      %dma_start3A_263 = tpu.memref_squeeze %dma_start3A_262 : memref<1x8x512xf32, #tpu.memory_space<vmem>> -> memref<8x512xf32, #tpu.memory_space<vmem>>
      tpu.enqueue_dma source(%dma_start3A_263 : memref<8x512xf32, #tpu.memory_space<vmem>>) target(%dma_start3A_259 : memref<8x512xf32, #tpu.memory_space<hbm>>) target_semaphore(%run_scoped3A_251 : memref<!tpu.dma_semaphore, #tpu.memory_space<semaphore_mem>>)
      %dma_wait3A_264 = arith.constant 0 : i32
      %dma_wait3A_265 = arith.constant 0 : i32
      %dma_wait3A_266 = tpu.memref_slice %arg14[%run_scoped3A_249, %dma_wait3A_264, %dma_wait3A_265] : memref<4x8x512xf32, #tpu.memory_space<vmem>> -> memref<1x8x512xf32, #tpu.memory_space<vmem>>
      %dma_wait3A_267 = tpu.memref_squeeze %dma_wait3A_266 : memref<1x8x512xf32, #tpu.memory_space<vmem>> -> memref<8x512xf32, #tpu.memory_space<vmem>>
      %dma_wait3A_268 = arith.constant 16 : i32
      %dma_wait3A_269 = tpu.memref_slice %arg4[%dma_wait3A_268, %mul3A_2] : memref<32x16384xf32, #tpu.memory_space<hbm>> -> memref<8x512xf32, #tpu.memory_space<hbm>>
      %dma_wait3A_270 = arith.constant 16 : i32
      %dma_wait3A_271 = tpu.memref_slice %arg4[%dma_wait3A_270, %mul3A_2] : memref<32x16384xf32, #tpu.memory_space<hbm>> -> memref<8x512xf32, #tpu.memory_space<hbm>>
      %dma_wait3A_272 = arith.constant 0 : i32
      %dma_wait3A_273 = arith.constant 0 : i32
      %dma_wait3A_274 = tpu.memref_slice %arg14[%run_scoped3A_249, %dma_wait3A_272, %dma_wait3A_273] : memref<4x8x512xf32, #tpu.memory_space<vmem>> -> memref<1x8x512xf32, #tpu.memory_space<vmem>>
      %dma_wait3A_275 = tpu.memref_squeeze %dma_wait3A_274 : memref<1x8x512xf32, #tpu.memory_space<vmem>> -> memref<8x512xf32, #tpu.memory_space<vmem>>
      tpu.wait_dma2 semaphore(%run_scoped3A_251 : memref<!tpu.dma_semaphore, #tpu.memory_space<semaphore_mem>>) src(%dma_wait3A_275 : memref<8x512xf32, #tpu.memory_space<vmem>>) dst(%dma_wait3A_271 : memref<8x512xf32, #tpu.memory_space<hbm>>)
      tpu.yield
    }) : () -> ()
    %run_scoped3A_250 = arith.constant 3 : i32
    "tpu.region"() ({
      %run_scoped3A_251 = tpu.sem_alloc : memref<!tpu.dma_semaphore, #tpu.memory_space<semaphore_mem>>
      %dma_start3A_252 = arith.constant 0 : i32
      %dma_start3A_253 = arith.constant 0 : i32
      %dma_start3A_254 = tpu.memref_slice %arg14[%run_scoped3A_250, %dma_start3A_252, %dma_start3A_253] : memref<4x8x512xf32, #tpu.memory_space<vmem>> -> memref<1x8x512xf32, #tpu.memory_space<vmem>>
      %dma_start3A_255 = tpu.memref_squeeze %dma_start3A_254 : memref<1x8x512xf32, #tpu.memory_space<vmem>> -> memref<8x512xf32, #tpu.memory_space<vmem>>
      %dma_start3A_256 = arith.constant 24 : i32
      %dma_start3A_257 = tpu.memref_slice %arg4[%dma_start3A_256, %mul3A_2] : memref<32x16384xf32, #tpu.memory_space<hbm>> -> memref<8x512xf32, #tpu.memory_space<hbm>>
      %dma_start3A_258 = arith.constant 24 : i32
      %dma_start3A_259 = tpu.memref_slice %arg4[%dma_start3A_258, %mul3A_2] : memref<32x16384xf32, #tpu.memory_space<hbm>> -> memref<8x512xf32, #tpu.memory_space<hbm>>
      %dma_start3A_260 = arith.constant 0 : i32
      %dma_start3A_261 = arith.constant 0 : i32
      %dma_start3A_262 = tpu.memref_slice %arg14[%run_scoped3A_250, %dma_start3A_260, %dma_start3A_261] : memref<4x8x512xf32, #tpu.memory_space<vmem>> -> memref<1x8x512xf32, #tpu.memory_space<vmem>>
      %dma_start3A_263 = tpu.memref_squeeze %dma_start3A_262 : memref<1x8x512xf32, #tpu.memory_space<vmem>> -> memref<8x512xf32, #tpu.memory_space<vmem>>
      tpu.enqueue_dma source(%dma_start3A_263 : memref<8x512xf32, #tpu.memory_space<vmem>>) target(%dma_start3A_259 : memref<8x512xf32, #tpu.memory_space<hbm>>) target_semaphore(%run_scoped3A_251 : memref<!tpu.dma_semaphore, #tpu.memory_space<semaphore_mem>>)
      %dma_wait3A_264 = arith.constant 0 : i32
      %dma_wait3A_265 = arith.constant 0 : i32
      %dma_wait3A_266 = tpu.memref_slice %arg14[%run_scoped3A_250, %dma_wait3A_264, %dma_wait3A_265] : memref<4x8x512xf32, #tpu.memory_space<vmem>> -> memref<1x8x512xf32, #tpu.memory_space<vmem>>
      %dma_wait3A_267 = tpu.memref_squeeze %dma_wait3A_266 : memref<1x8x512xf32, #tpu.memory_space<vmem>> -> memref<8x512xf32, #tpu.memory_space<vmem>>
      %dma_wait3A_268 = arith.constant 24 : i32
      %dma_wait3A_269 = tpu.memref_slice %arg4[%dma_wait3A_268, %mul3A_2] : memref<32x16384xf32, #tpu.memory_space<hbm>> -> memref<8x512xf32, #tpu.memory_space<hbm>>
      %dma_wait3A_270 = arith.constant 24 : i32
      %dma_wait3A_271 = tpu.memref_slice %arg4[%dma_wait3A_270, %mul3A_2] : memref<32x16384xf32, #tpu.memory_space<hbm>> -> memref<8x512xf32, #tpu.memory_space<hbm>>
      %dma_wait3A_272 = arith.constant 0 : i32
      %dma_wait3A_273 = arith.constant 0 : i32
      %dma_wait3A_274 = tpu.memref_slice %arg14[%run_scoped3A_250, %dma_wait3A_272, %dma_wait3A_273] : memref<4x8x512xf32, #tpu.memory_space<vmem>> -> memref<1x8x512xf32, #tpu.memory_space<vmem>>
      %dma_wait3A_275 = tpu.memref_squeeze %dma_wait3A_274 : memref<1x8x512xf32, #tpu.memory_space<vmem>> -> memref<8x512xf32, #tpu.memory_space<vmem>>
      tpu.wait_dma2 semaphore(%run_scoped3A_251 : memref<!tpu.dma_semaphore, #tpu.memory_space<semaphore_mem>>) src(%dma_wait3A_275 : memref<8x512xf32, #tpu.memory_space<vmem>>) dst(%dma_wait3A_271 : memref<8x512xf32, #tpu.memory_space<hbm>>)
      tpu.yield
    }) : () -> ()
    return
  }
}

</mosaic_0001>

<sc_bundles>
// kernel: kernel.3.cloned.1.call-start
scs
__scs_entry_jumppad:
0x0: {  	(pc) =	sbr.rel $0x88, $3  }
0x1: {  	(tag) =	ssettag $0x0;
	lr =	simm.s32 $0x1  }
0x2: {  	[smem:$0x3F9F] =	sst lr;
	_ =	strace $0xD0000000  }
0x3: {  	_ = 	snop  }
0x4: {  	_ = 	snop  }
0x5: {  	_ = 	snop  }
0x6: {  	_ = 	snop  }
0x7: {  	_ = 	snop  }
__scs_overlays_trampoline_lowered:
0x8: {  	[smem:$0x3FAE] =	sst s0  }
0x9: {  	[smem:$0x3FAF] =	sst s1  }
0xa: {  	[smem:$0x3FB0] =	sst s2  }
0xb: {  	[smem:$0x3FB1] =	sst s3  }
0xc: {  	[smem:$0x3FB2] =	sst s4  }
0xd: {  	[smem:$0x3FB3] =	sst s5  }
0xe: {  	[smem:$0x3FB4] =	sst s6  }
0xf: {  	[smem:$0x3FB5] =	sst s7  }
0x10: {  	[smem:$0x3FB6] =	sst s8  }
0x11: {  	[smem:$0x3FB7] =	sst s9;
	s0 =	simm.s32 @!p0 $0x0  }
0x12: {  	s1 =	sld [smem:$0x3F9D];
	s0 =	simm.s32 @p0 $0x1  }
0x13: {  	[smem:$0x3FB8] =	sst s0;
	s0 =	simm.s32 @!p1 $0x0  }
0x14: {  	s2 =	sld [smem:$0x3F9C];
	s0 =	simm.s32 @p1 $0x1  }
0x15: {  	[smem:$0x3FB9] =	sst s0;
	s0 =	simm.s32 @!p2 $0x0  }
0x16: {  	s3 =	sld [smem:$0x3FDB];
	s0 =	simm.s32 @p2 $0x1  }
0x17: {  	s4 =	simm.s32 $0x1BF5;
	[smem:$0x3FBB] =	sst s0  }
0x18: {  	s0 =	sld [smem:$0x3F9E];
	_ =	swait.ge [sflag:s4], $0x0  }
0x19: {  	s7 =	sld [smem:$0x3F9F]  }
0x1a: {  	s8 =	sadd.s32 $0xFFFFE003, lr  }
0x1b: {  	s9 =	sadd.s32 $0xFFFFFEF7, lr;
	s5 =	simm.s32 $0xFFFFFFFF;
	p2 =	slt.u32 s8, $0xFFFFF086  }
0x1c: {  	p1 =	slt.u32 s9, $0xF7A;
	s5 =	simm.s32 @!p2 $0x0  }
0x1d: {  	s5 =	simm.s32 @p1 $0x1;
	p0 =	seq.s32 s7, s2  }
0x1e: {  	s7 =	smul.u32 @!p0 $0xF7A, s2;
	p2 =	seq.s32 @!p0 s5, $0x0  }
0x1f: {  	s9 =	smul.u32 $0xF7A, s1;
	s8 =	simm.s32 @!p0 $0x1BF5;
	p2 =	por !p2, p0  }
0x20: {  	[sflag:s8] =	ssyncset.s32 @!p0 $0xFFFFF086;
	s6 =	sadd.s32 @!p0 s3, s7;
	s7 =	simm.s32 @!p0 $0x108  }
0x21: {  	s3 =	sadd.s32 s3, s9;
	s6 =	sadd.s32 @!p0 $0x88, s6;
	s7 =	simm.s32 @p2 $0x1082  }
0x22: {  	[simem:s7], [sflag:s8] =	dma.local @!p0 [hbm:s6], $0xF7A  }
0x23: {  	s9 =	sor.u32 $0xD0000000, s2;
	s6 =	simm.s32 $0x108;
	_ =	swait.ge @!p0 [sflag:s8], $0x0  }
0x24: {  	s3 =	sadd.s32 $0x88, s3;
	s6 =	simm.s32 @!p1 $0x1082;
	[sflag:s4] =	ssyncset.s32 $0xFFFFF086  }
0x25: {  	[simem:s6], [sflag:s4] =	dma.local [hbm:s3], $0xF7A  }
0x26: {  	[smem:$0x3F9F] =	sst s1;
	(tag) =	ssettag s2;
	_ =	strace s9  }
0x27: {  	s1 =	sld [smem:$0x3FAF]  }
0x28: {  	s2 =	sld [smem:$0x3FB0]  }
0x29: {  	s4 =	sld [smem:$0x3FB2]  }
0x2a: {  	p0 =	seq.s32 s5, $0x0;
	s5 =	sld [smem:$0x3FB3]  }
0x2b: {  	s6 =	sld [smem:$0x3FB4]  }
0x2c: {  	s7 =	sld [smem:$0x3FB5]  }
0x2d: {  	s3 =	simm.s32 $0x108;
	s8 =	sld [smem:$0x3FB6]  }
0x2e: {  	s3 =	simm.s32 @!p0 $0x1082;
	s9 =	sld [smem:$0x3FB7]  }
0x2f: {  	lr =	sadd.s32 s0, s3;
	s0 =	sld [smem:$0x3FAE]  }
0x30: {  	s3 =	sld [smem:$0x3FB1]  }
0x31: {  	[smem:$0x3FBA] =	sst s10  }
0x32: {  	s10 =	sld [smem:$0x3FB8];
	_ =	sdelay $0x3  }
0x33: {  	p0 =	seq.s32 s10, $0x1;
	s10 =	sld [smem:$0x3FBA];
	_ =	sdelay $0x3  }
0x34: {  	[smem:$0x3FBA] =	sst s10  }
0x35: {  	s10 =	sld [smem:$0x3FB9];
	_ =	sdelay $0x3  }
0x36: {  	p1 =	seq.s32 s10, $0x1;
	s10 =	sld [smem:$0x3FBA];
	_ =	sdelay $0x3  }
0x37: {  	[smem:$0x3FBA] =	sst s10  }
0x38: {  	s10 =	sld [smem:$0x3FBB]  }
0x39: {  	_ = 	snop;
	(pc) =	sbr.ind lr, $3  }
0x3a: {  	_ = 	snop  }
0x3b: {  	_ = 	snop  }
0x3c: {  	p2 =	seq.s32 s10, $0x1;
	s10 =	sld [smem:$0x3FBA]  }
0x3d: {  	_ =	shalt  }
0x3e: {  	_ =	shalt  }
0x3f: {  	_ =	shalt  }
0x40: {  	_ =	shalt  }
0x41: {  	_ =	shalt  }
0x42: {  	_ =	shalt  }
0x43: {  	_ =	shalt  }
0x44: {  	_ =	shalt  }
0x45: {  	_ =	shalt  }
0x46: {  	_ =	shalt  }
0x47: {  	_ =	shalt  }
0x48: {  	_ =	shalt  }
0x49: {  	_ =	shalt  }
0x4a: {  	_ =	shalt  }
0x4b: {  	_ =	shalt  }
0x4c: {  	_ =	shalt  }
0x4d: {  	_ =	shalt  }
0x4e: {  	_ =	shalt  }
0x4f: {  	_ =	shalt  }
0x50: {  	_ =	shalt  }
0x51: {  	_ =	shalt  }
0x52: {  	_ =	shalt  }
0x53: {  	_ =	shalt  }
0x54: {  	_ =	shalt  }
0x55: {  	_ =	shalt  }
0x56: {  	_ =	shalt  }
0x57: {  	_ =	shalt  }
0x58: {  	_ =	shalt  }
0x59: {  	_ =	shalt  }
0x5a: {  	_ =	shalt  }
0x5b: {  	_ =	shalt  }
0x5c: {  	_ =	shalt  }
0x5d: {  	_ =	shalt  }
0x5e: {  	_ =	shalt  }
0x5f: {  	_ =	shalt  }
0x60: {  	_ =	shalt  }
0x61: {  	_ =	shalt  }
0x62: {  	_ =	shalt  }
0x63: {  	_ =	shalt  }
0x64: {  	_ =	shalt  }
0x65: {  	_ =	shalt  }
0x66: {  	_ =	shalt  }
0x67: {  	_ =	shalt  }
0x68: {  	_ =	shalt  }
0x69: {  	_ =	shalt  }
0x6a: {  	_ =	shalt  }
0x6b: {  	_ =	shalt  }
0x6c: {  	_ =	shalt  }
0x6d: {  	_ =	shalt  }
0x6e: {  	_ =	shalt  }
0x6f: {  	_ =	shalt  }
0x70: {  	_ =	shalt  }
0x71: {  	_ =	shalt  }
0x72: {  	_ =	shalt  }
0x73: {  	_ =	shalt  }
0x74: {  	_ =	shalt  }
0x75: {  	_ =	shalt  }
0x76: {  	_ =	shalt  }
0x77: {  	_ =	shalt  }
0x78: {  	_ =	shalt  }
0x79: {  	_ =	shalt  }
0x7a: {  	_ =	shalt  }
0x7b: {  	_ =	shalt  }
0x7c: {  	_ =	shalt  }
0x7d: {  	_ =	shalt  }
0x7e: {  	_ =	shalt  }
0x7f: {  	_ =	shalt  }
0x80: {  	_ =	shalt  }
0x81: {  	_ =	shalt  }
0x82: {  	_ =	shalt  }
0x83: {  	_ =	shalt  }
0x84: {  	_ =	shalt  }
0x85: {  	_ =	shalt  }
0x86: {  	_ =	shalt  }
0x87: {  	_ =	shalt  }
.Lfunc_end0:
.L_simem_size_0:
called_computation_lowered:
.L_overlay_start_0:
0x88: {  	s2 =	sld [smem:$0x3FD9]  }
0x89: {  	s3 =	sld [smem:$0x3FFE];
	_ =	sdelay $0x1  }
0x8a: {  	s1 =	srdreg.scid  }
0x8b: {  	s0 =	sand.u32 $0x1, s1  }
0x8c: {  	s18 =	sshll.u32 s0, $0xA;
	s2 =	sadd.s32 s3, s2  }
0x8d: {  	s2 =	sadd.s32 s2, s18  }
0x8e: {  	[smem:$0x3FC6] =	sst s2  }
0x8f: {  	_ = 	snop  }
0x90: {  	s2 =	sld [smem:$0x3FC9]  }
0x91: {  	s19 =	sld [smem:$0x3FC8]  }
0x92: {  	s4 =	sld [smem:$0x3FD0];
	(tm) =	ssettm $0x1  }
0x93: {  	s5 =	sld [smem:$0x3FFB];
	_ =	sdelay $0x3  }
0x94: {  	_ =	strace s5  }
0x95: {  	s5 =	sld [smem:$0x3FFC];
	_ =	sdelay $0x3  }
0x96: {  	_ =	strace s5  }
0x97: {  	s5 =	sld [smem:$0x3FFD];
	_ =	sdelay $0x3  }
0x98: {  	_ =	strace s5  }
0x99: {  	_ =	strace $0x8FFFFFFF  }
0x9a: {  	s20 =	sld [smem:$0x3FDB];
	_ =	sdelay $0x1  }
0x9b: {  	s6 =	simm.s32 $_scs_section_size  }
0x9c: {  	s7 =	simm.s32 $_size__tile_overlayer_lowered;
	s8 =	simm.s32 $_tile_overlayer_lowered  }
0x9d: {  	s23 =	simm.s32 $0x1BFF;
	s22 =	sshll.u32 s8, $0x1;
	s5 =	sadd.s32 s6, s20  }
0x9e: {  	s9 =	simm.s32 $0x0;
	s21 =	sshll.u32 s7, $0x1;
	s7 =	sadd.s32 s22, s5  }
0x9f: {  	[timem:s9], [sflag:s23] =	dma.local [hbm:s7], s21  }
0xa0: {  	_ =	swait.ge [sflag:s23], s21  }
0xa1: {  	s6 =	ssub.s32 $0x0, s21;
	[sflag:s23] =	ssyncset.done $0x0  }
0xa2: {  	[sflag:s23] =	ssyncadd.s32 s6;
	_ =	sdelay $0x1  }
0xa3: {  	s24 =	simm.s32 $0x1B8B  }
0xa4: {  	_ =	swait.ge [sflag:s24], $0x1  }
0xa5: {  	[sflag:s24] =	ssyncset.done $0x0  }
0xa6: {  	s25 =	simm.s32 $0x1B8E;
	[sflag:s24] =	ssyncadd.s32 $0xFFFFFFFF  }
0xa7: {  	s26 =	simm.s32 $execute0_lowered;
	[smem:$0x3FD2] =	sst s25  }
0xa8: {  	s6 =	sshll.u32 s26, $0x1;
	_ =	strace $0x80000046;
	[dreg:$0x1] =	wrdreg $0xFFFFFFFF  }
0xa9: {  	s28 =	simm.s32 $_size_execute0_lowered;
	s5 =	sadd.s32 s5, s6;
	[dreg:$0x0] =	wrdreg $0x0  }
0xaa: {  	s6 =	sshll.u32 s28, $0x1;
	[dreg:$0x2] =	wrdreg s5  }
0xab: {  	[dreg:$0x3] =	wrdreg s6  }
0xac: {  	[dreg:$0x4] =	wrdreg $0xC0  }
0xad: {  	_ =	task [dreg:s9], $0x5FFFF  }
0xae: {  	[dreg:$0x1] =	wrdreg $0xFFFFFFFF  }
0xaf: {  	[dreg:$0x0] =	wrdreg $0x60  }
0xb0: {  	[dreg:$0x2] =	wrdreg s2  }
0xb1: {  	[dreg:$0x3] =	wrdreg s19  }
0xb2: {  	[dreg:$0x4] =	wrdreg s4  }
0xb3: {  	[dreg:$0x5] =	wrdreg $0x9  }
0xb4: {  	_ =	task.clear_ibuf [dreg:s9], $0x6FFFF;
	_ =	strace $0x90000046  }
0xb5: {  	s29 =	simm.s32 $0x9;
	_ =	strace $0x80000048  }
0xb6: {  	_ =	swait.ge [sflag:s29], $0x1  }
0xb7: {  	[sflag:s29] =	ssyncadd.s32 $0xFFFFFFFF  }
0xb8: {  	_ =	strace $0x90000048  }
0xb9: {  	_ =	sfence  }
0xba: {  	s30 =	sld [smem:$0x0];
	_ =	sdelay $0x2  }
0xbb: {  	s31 =	sshll.u32 s1, $0xD;
	s1 =	sshrl.u32 s1, $0x2  }
0xbc: {  	s3 =	sand.u32 $0x4000, s31;
	s1 =	sadd.s32 s1, s30  }
0xbd: {  	s0 =	sor.u32 s3, s0;
	s1 =	sshll.u32 s1, $0x11  }
0xbe: {  	s0 =	sor.u32 s1, s0  }
0xbf: {  	s0 =	sadd.s32 $0x8F2B, s0  }
0xc0: {  	[sflag:s0] =	ssyncadd.remote.s32 $0x1  }
0xc1: {  	_ =	sfence.sel $0xFFFF  }
0xc2: {  	[dreg:$0x0] =	wrdreg $0xFFFFFFFF;
	(pc) =	sbr.abs _section_cstart, $3  }
0xc3: {  	[dreg:$0x1] =	wrdreg $0xFFFFFFFF  }
0xc4: {  	_ =	task.clear_ibuf [dreg:s9], $0x2FFFF;
	_ =	strace $0x9FFFFFFF  }
0xc5: {  	(tm) =	ssettm $0x7FFFFFFF  }
tec
execute0_lowered:
.L_overlay_start_1:
0x0: {  	(tag) =	ssettag $0x1  }
0x1: {  	vm0 =	vmmov $0x1  }
0x2: {  	vm1 =	vcmask $0x308;
	vm2 =	vcmask $0x70C;
	vm3 =	vcmask $0xB10  }
0x3: {  	vm4 =	vcmask $0xF14;
	vm5 =	vcmask $0x1318;
	vm6 =	vcmask $0x171C  }
0x4: {  	vm7 =	vcmask $0x1B20;
	vm8 =	vcmask $0x1F24;
	vm9 =	vcmask $0x2328  }
0x5: {  	vm10 =	vcmask $0x272C;
	vm11 =	vcmask $0x2B30;
	vm12 =	vcmask $0x2F34  }
0x6: {  	vm13 =	vcmask $0x3338;
	v0 =	vlaneseq.u32;
	v1 =	vimm.s32 $0x1380  }
0x7: {  	vm14 =	vcmask $0x300;
	vm15 =	vcmask $0x704;
	v2 =	vimm.s32 $0x3380  }
0x8: {  	v0 =	vmul.u32 $0x80, v0;
	v1 =	vsel vm14, $0x0, v1;
	v2 =	vsel vm14, $0x2000, v2  }
0x9: {  	s7 =	rddreg [dreg:$0x0];
	vm14 =	vcmask $0xB08;
	v1 =	vsel vm15, $0x80, v1;
	v2 =	vsel vm15, $0x2080, v2  }
0xa: {  	s0 =	rddreg [dreg:$0x1];
	vm15 =	vcmask $0xF0C;
	v1 =	vsel vm14, $0x100, v1;
	v2 =	vsel vm14, $0x2100, v2  }
0xb: {  	s1 =	rddreg [dreg:$0x2];
	s2 =	srdreg.scid;
	vm14 =	vcmask $0x1310;
	v3 =	vor.u32 $0x800, v0;
	v1 =	vsel vm15, $0x180, v1  }
0xc: {  	s6 =	simm.s32 $0x0;
	s3 =	stileid.u32;
	s12 =	simm.s32 $0x7A1400;
	v2 =	vsel vm15, $0x2180, v2;
	vm15 =	vcmask $0x1714;
	v1 =	vsel vm14, $0x200, v1  }
0xd: {  	s11 =	simm.s32 $0x400;
	s19 =	simm.s32 $0x1280;
	s29 =	simm.s32 $0x2280;
	v2 =	vsel vm14, $0x2200, v2;
	vm14 =	vcmask $0x1B18;
	v1 =	vsel vm15, $0x280, v1  }
0xe: {  	s18 =	simm.s32 $0x3280;
	s28 =	simm.s32 $0x5280;
	s2 =	sand.u32 $0x1, s2;
	v2 =	vsel vm15, $0x2280, v2;
	vm15 =	vcmask $0x1F1C;
	v1 =	vsel vm14, $0x300, v1  }
0xf: {  	s9 =	simm.s32 $0x7280;
	s3 =	sshll.u32 s3, $0xA;
	s4 =	sshll.u32 s2, $0x9;
	v2 =	vsel vm14, $0x2300, v2;
	vm14 =	vcmask $0x2320;
	v1 =	vsel vm15, $0x380, v1  }
0x10: {  	s22 =	simm.s32 $0x8280;
	[smem:$0x7FF] =	sst s6;
	s3 =	sor.u32 s4, s3;
	v2 =	vsel vm15, $0x2380, v2;
	vm15 =	vcmask $0x2724;
	v1 =	vsel vm14, $0x1000, v1  }
0x11: {  	_ =	strace $0x80000047;
	s5 =	sshrl.u32 s3, $0x3;
	s3 =	sadd.s32 s1, s3;
	v2 =	vsel vm14, $0x3000, v2;
	vm14 =	vcmask $0x2B28;
	v1 =	vsel vm15, $0x1080, v1  }
0x12: {  	s2 =	ssub.s32 $0x2, s2;
	s0 =	sadd.s32 s0, s5;
	[dreg:$0xe] =	wrdreg s3;
	v2 =	vsel vm15, $0x3080, v2;
	vm15 =	vcmask $0x2F2C;
	v1 =	vsel vm14, $0x1100, v1  }
0x13: {  	s23 =	sshrl.u32 s2, $0x1;
	s25 =	sadd.s32 $0x4000, s3;
	[dreg:$0xf] =	wrdreg s0;
	v2 =	vsel vm14, $0x3100, v2;
	vm14 =	vcmask $0x3330;
	v1 =	vsel vm15, $0x1180, v1  }
0x14: {  	s24 =	ssub.s32 s2, s23;
	s26 =	sadd.s32 $0x8000, s3;
	[dreg:$0x10] =	wrdreg s25;
	v2 =	vsel vm15, $0x3180, v2;
	vm15 =	vcmask $0x3734;
	v1 =	vsel vm14, $0x1200, v1  }
0x15: {  	s2 =	simm.s32 $0x9;
	s30 =	sadd.s32 $0xC000, s3;
	[dreg:$0x11] =	wrdreg s26;
	v2 =	vsel vm14, $0x3200, v2;
	vm14 =	vcmask $0x3734;
	v1 =	vsel vm15, $0x1280, v1  }
0x16: {  	s1 =	simm.s32 $0x4280;
	s31 =	smax.u32 s24, $0x1;
	[dreg:$0x12] =	wrdreg s30;
	vm15 =	vcmask $0x3B38;
	v2 =	vsel vm14, $0x3280, v2;
	vm14 =	vcmask $0x373C  }
0x17: {  	s3 =	simm.s32 $0x0;
	[dreg:$0x13] =	wrdreg s31;
	s25 =	simm.s32 $0x6280;
	v1 =	vsel vm15, $0x1300, v1;
	v2 =	vsel vm15, $0x3300, v2;
	vm15 =	vmmov $0x7fff  }
.LBB2_1:
0x18: {  	[dreg:$0x14] =	wrdreg s3  }
0x19: {  	s0 =	rddreg [dreg:$0xf]  }
0x1a: {  	[tilespmem:s6], [sflag:$0x9] =	stream.linear.gather [hbm4b:s0+s6], $0x200, $0x38;
	[tilespmem:$0xC280] =	vst v63  }
0x1b: {  	_ =	swait.ge [sflag:s2], $0x200  }
0x1c: {  	[sflag:s2] =	ssyncset.done $0x0  }
0x1d: {  	[sflag:s2] =	ssyncadd.s32 $0xFFFFFE00  }
0x1e: {  	v4 =	vld [tilespmem:$0x0];
	_ =	sdelay $0x4  }
0x1f: {  	v5 =	vnsel vm0, $0x0, v4  }
0x20: {  	v5 =	vxor.u32 $0x80000000, v5  }
0x21: {  	(xrf0) =	vmax.scan.msk.u32 $0xffff, v5;
	_ =	sdelay $0x1  }
0x22: {  	v5 =	vsel vm1, $0x0, v4  }
0x23: {  	v5 =	vxor.u32 $0x80000000, v5  }
0x24: {  	(xrf0) =	vmax.scan.msk.u32 $0xffff, v5;
	_ =	sdelay $0x1  }
0x25: {  	v6 =	vsel vm2, $0x0, v4;
	v5, _, _ =	vpop (xrf0)  }
0x26: {  	(v2sf) =	vpush v5, $0xF;
	v5 =	vxor.u32 $0x80000000, v6  }
0x27: {  	(xrf0) =	vmax.scan.msk.u32 $0xffff, v5;
	_ =	sdelay $0x1  }
0x28: {  	v6 =	vsel vm3, $0x0, v4;
	v5, _, _ =	vpop (xrf0)  }
0x29: {  	(v2sf) =	vpush v5, $0xF;
	v5 =	vxor.u32 $0x80000000, v6  }
0x2a: {  	(xrf0) =	vmax.scan.msk.u32 $0xffff, v5;
	_ =	sdelay $0x1  }
0x2b: {  	v6 =	vsel vm4, $0x0, v4;
	v5, _, _ =	vpop (xrf0)  }
0x2c: {  	(v2sf) =	vpush v5, $0xF;
	v5 =	vxor.u32 $0x80000000, v6  }
0x2d: {  	(xrf0) =	vmax.scan.msk.u32 $0xffff, v5;
	_ =	sdelay $0x1  }
0x2e: {  	v6 =	vsel vm5, $0x0, v4;
	v5, _, _ =	vpop (xrf0)  }
0x2f: {  	(v2sf) =	vpush v5, $0xF;
	v5 =	vxor.u32 $0x80000000, v6  }
0x30: {  	v4 =	vsel vm6, $0x0, v4;
	(xrf0) =	vmax.scan.msk.u32 $0xffff, v5  }
0x31: {  	v4 =	vxor.u32 $0x80000000, v4  }
0x32: {  	(xrf0) =	vmax.scan.msk.u32 $0xffff, v4;
	s20 =	spop (v2sf);
	v5, _, _ =	vpop (xrf0)  }
0x33: {  	s0 =	sand.u32 $0x1FFFFF80, s20;
	(v2sf) =	vpush v5, $0xF  }
0x34: {  	s24 =	simm.s32 $0x280;
	s0 =	sadd.s32 s7, s0  }
0x35: {  	[tilespmem:s24], [sflag:$0x1] =	stream.strided.gather [hbm4b:s0+s11], $0x1000, s12, s11, $0x38;
	[tilespmem:$0xC280] =	vst v63  }
0x36: {  	s21 =	spop (v2sf);
	v4, _, _ =	vpop (xrf0)  }
0x37: {  	s0 =	sand.u32 $0x1FFFFF80, s21;
	(v2sf) =	vpush v4, $0xF  }
0x38: {  	v4, _, _ =	vpop (xrf0);
	s0 =	sadd.s32 s7, s0  }
0x39: {  	(v2sf) =	vpush v4, $0xF;
	[tilespmem:s19], [sflag:$0x2] =	stream.strided.gather [hbm4b:s0+s11], $0x1000, s12, s11, $0x38;
	[tilespmem:$0xC280] =	vst v63  }
0x3a: {  	s23 =	spop (v2sf)  }
0x3b: {  	s0 =	sand.u32 $0x1FFFFF80, s23  }
0x3c: {  	s0 =	sadd.s32 s7, s0  }
0x3d: {  	[tilespmem:s29], [sflag:$0x3] =	stream.strided.gather [hbm4b:s0+s11], $0x1000, s12, s11, $0x38;
	[tilespmem:$0xC280] =	vst v63  }
0x3e: {  	s26 =	spop (v2sf)  }
0x3f: {  	s0 =	sand.u32 $0x1FFFFF80, s26  }
0x40: {  	s0 =	sadd.s32 s7, s0  }
0x41: {  	[tilespmem:s18], [sflag:$0x4] =	stream.strided.gather [hbm4b:s0+s11], $0x1000, s12, s11, $0x38;
	[tilespmem:$0xC280] =	vst v63  }
0x42: {  	s30 =	spop (v2sf)  }
0x43: {  	s0 =	sand.u32 $0x1FFFFF80, s30  }
0x44: {  	s0 =	sadd.s32 s7, s0  }
0x45: {  	[tilespmem:s1], [sflag:$0x5] =	stream.strided.gather [hbm4b:s0+s11], $0x1000, s12, s11, $0x38;
	[tilespmem:$0xC280] =	vst v63  }
0x46: {  	s31 =	spop (v2sf)  }
0x47: {  	s0 =	sand.u32 $0x1FFFFF80, s31  }
0x48: {  	s1 =	spop (v2sf);
	s0 =	sadd.s32 s7, s0  }
0x49: {  	[tilespmem:s28], [sflag:$0x6] =	stream.strided.gather [hbm4b:s0+s11], $0x1000, s12, s11, $0x38;
	[tilespmem:$0xC280] =	vst v63  }
0x4a: {  	s0 =	sand.u32 $0x1FFFFF80, s1  }
0x4b: {  	s2 =	simm.s32 $0x10;
	s0 =	sadd.s32 s7, s0  }
0x4c: {  	[tilespmem:s25], [sflag:$0x7] =	stream.strided.gather [hbm4b:s0+s11], $0x1000, s12, s11, $0x38;
	[tilespmem:$0xC280] =	vst v63  }
0x4d: {  	v4 =	vld [tilespmem:s2+$0xFFFFFFF0];
	_ =	sdelay $0x4  }
0x4e: {  	v5 =	vsel vm7, $0x0, v4  }
0x4f: {  	v6 =	vnsel vm0, $0x0, v4;
	v5 =	vxor.u32 $0x80000000, v5  }
0x50: {  	v6 =	vxor.u32 $0x80000000, v6;
	(xrf0) =	vmax.scan.msk.u32 $0xffff, v5  }
0x51: {  	v5 =	vsel vm1, $0x0, v4;
	(xrf0) =	vmax.scan.msk.u32 $0xffff, v6  }
0x52: {  	v5 =	vxor.u32 $0x80000000, v5  }
0x53: {  	(xrf0) =	vmax.scan.msk.u32 $0xffff, v5;
	v5 =	vsel vm8, $0x0, v4  }
0x54: {  	v5 =	vxor.u32 $0x80000000, v5;
	_ =	sdelay $0x1  }
0x55: {  	v8 =	vsel vm9, $0x0, v4;
	v6 =	vsel vm2, $0x0, v4;
	v7, _, _ =	vpop (xrf0)  }
0x56: {  	v6 =	vxor.u32 $0x80000000, v6;
	(xrf0) =	vmax.scan.msk.u32 $0xffff, v5;
	(v2sf) =	vpush v7, $0xF;
	v5, _, _ =	vpop (xrf0);
	v7 =	vsel vm3, $0x0, v4  }
0x57: {  	v8 =	vxor.u32 $0x80000000, v8;
	(xrf0) =	vmax.scan.msk.u32 $0xffff, v6;
	(v2sf) =	vpush v5, $0xF  }
0x58: {  	(xrf0) =	vmax.scan.msk.u32 $0xffff, v8;
	v5 =	vsel vm10, $0x0, v4;
	v6 =	vxor.u32 $0x80000000, v7  }
0x59: {  	v57 =	vsel vm4, $0x0, v4;
	v5 =	vxor.u32 $0x80000000, v5;
	v7, _, _ =	vpop (xrf0);
	(xrf0) =	vmax.scan.msk.u32 $0xffff, v6  }
0x5a: {  	v6 =	vxor.u32 $0x80000000, v57;
	(v2sf) =	vpush v7, $0xF;
	v7 =	vsel vm11, $0x0, v4;
	(xrf0) =	vmax.scan.msk.u32 $0xffff, v5  }
0x5b: {  	v5 =	vsel vm5, $0x0, v4;
	v7 =	vxor.u32 $0x80000000, v7;
	(xrf0) =	vmax.scan.msk.u32 $0xffff, v6  }
0x5c: {  	v58, _, _ =	vpop (xrf0);
	v6 =	vsel vm12, $0x0, v4;
	v5 =	vxor.u32 $0x80000000, v5;
	(xrf0) =	vmax.scan.msk.u32 $0xffff, v7;
	v7 =	vsel vm6, $0x0, v4  }
0x5d: {  	v9, _, _ =	vpop (xrf0);
	v6 =	vxor.u32 $0x80000000, v6;
	(xrf0) =	vmax.scan.msk.u32 $0xffff, v5;
	v5 =	vsel vm13, $0x0, v4;
	v7 =	vxor.u32 $0x80000000, v7  }
0x5e: {  	(v2sf) =	vpush v58, $0xF;
	v59, _, _ =	vpop (xrf0);
	(xrf0) =	vmax.scan.msk.u32 $0xffff, v6;
	v5 =	vxor.u32 $0x80000000, v5  }
0x5f: {  	(v2sf) =	vpush v59, $0xF;
	v6 =	vsel vm14, $0x0, v4;
	v4 =	vsel vm15, $0x0, v4;
	v10, _, _ =	vpop (xrf0);
	(xrf0) =	vmax.scan.msk.u32 $0xffff, v7  }
0x60: {  	(v2sf) =	vpush v9, $0xF;
	v6 =	vxor.u32 $0x80000000, v6;
	v4 =	vxor.u32 $0x80000000, v4;
	v7, _, _ =	vpop (xrf0);
	(xrf0) =	vmax.scan.msk.u32 $0xffff, v5  }
0x61: {  	v5, _, _ =	vpop (xrf0);
	(v2sf) =	vpush v7, $0xF;
	(xrf0) =	vmax.scan.msk.u32 $0xffff, v6  }
0x62: {  	(v2sf) =	vpush v5, $0xF;
	v5, _, _ =	vpop (xrf0);
	(xrf0) =	vmax.scan.msk.u32 $0xffff, v4  }
0x63: {  	v4, _, _ =	vpop (xrf0);
	(v2sf) =	vpush v5, $0xF  }
0x64: {  	(v2sf) =	vpush v4, $0xF;
	v4, _, _ =	vpop (xrf0)  }
0x65: {  	v5, _, _ =	vpop (xrf0);
	(v2sf) =	vpush v4, $0xF;
	s15 =	spop (v2sf);
	v4 =	vld [tilespmem:s2+$0x0]  }
0x66: {  	s3 =	simm.s32 $0x10;
	(v2sf) =	vpush v5, $0xF;
	v5, _, _ =	vpop (xrf0);
	s4 =	spop (v2sf);
	s5 =	sand.u32 $0xFFFFF80, s15  }
0x67: {  	s6 =	simm.s32 $0x0;
	(v2sf) =	vpush v5, $0xF;
	v5, _, _ =	vpop (xrf0);
	s0 =	sand.u32 $0x7F, s4;
	s2 =	sadd.s32 s7, s5  }
0x68: {  	(v2sf) =	vpush v5, $0xF;
	v5, _, _ =	vpop (xrf0);
	v6 =	vor.u32 s0, v0;
	[tilespmem:s9], [sflag:$0x8] =	stream.strided.gather [hbm4b:s2+s11], $0x1000, s12, s11, $0x38;
	[tilespmem:$0xC280] =	vst v63  }
0x69: {  	[dreg:$0x4] =	wrdreg s3;
	s3 =	simm.s32 $0x1;
	s8 =	spop (v2sf);
	(v2sf) =	vpush v5, $0xF;
	v5 =	vmov s6  }
0x6a: {  	v7 =	vshll.u32 v5, $0x3;
	_ =	swait.ge [sflag:s3], $0x1000;
	v5 =	vand.u32 $0x70, v5;
	v60 =	vnsel vm0, $0x0, v4  }
0x6b: {  	v61 =	vsel vm1, $0x0, v4;
	v7 =	vand.u32 $0xC00, v7;
	[sflag:s3] =	ssyncset.done $0x0;
	v8 =	vxor.u32 $0x80000000, v60  }
0x6c: {  	v9 =	vxor.u32 $0x80000000, v61;
	v5 =	vor.u32 v5, v7;
	[sflag:s3] =	ssyncadd.s32 $0xFFFFF000;
	v7 =	vsel vm2, $0x0, v4;
	(xrf0) =	vmax.scan.msk.u32 $0xffff, v8  }
0x6d: {  	v11 =	vsel vm3, $0x0, v4;
	s16 =	spop (v2sf);
	v6 =	vld.idx.msk [tilespmem:v6+s24+$0x0], $0xffff;
	v62 =	vor.u32 v1, v5;
	v7 =	vxor.u32 $0x80000000, v7;
	(xrf0) =	vmax.scan.msk.u32 $0xffff, v9  }
0x6e: {  	v63 =	vor.u32 s0, v3;
	v12 =	vsel vm4, $0x0, v4;
	v11 =	vxor.u32 $0x80000000, v11;
	s13 =	spop (v2sf);
	(xrf0) =	vmax.scan.msk.u32 $0xffff, v7  }
0x6f: {  	v12 =	vxor.u32 $0x80000000, v12;
	s4 =	spop (v2sf);
	v7 =	vsel vm5, $0x0, v4;
	(xrf0) =	vmax.scan.msk.u32 $0xffff, v11  }
0x70: {  	v4 =	vsel vm6, $0x0, v4;
	v7 =	vxor.u32 $0x80000000, v7;
	s10 =	spop (v2sf);
	(xrf0) =	vmax.scan.msk.u32 $0xffff, v12  }
0x71: {  	v4 =	vxor.u32 $0x80000000, v4;
	s23 =	spop (v2sf);
	(xrf0) =	vmax.scan.msk.u32 $0xffff, v7  }
0x72: {  	s2 =	spop (v2sf);
	[tilespmem:v62+s22+$0x0] =	vst.idx.msk $0xffff, v6;
	v6, _, _ =	vpop (xrf0);
	(xrf0) =	vmax.scan.msk.u32 $0xffff, v4  }
0x73: {  	v5 =	vor.u32 v2, v5;
	s21 =	spop (v2sf);
	v4 =	vld.idx.msk [tilespmem:v63+s24+$0x0], $0xffff;
	(v2sf) =	vpush v6, $0xF;
	v6, _, _ =	vpop (xrf0)  }
0x74: {  	s30 =	spop (v2sf);
	(v2sf) =	vpush v6, $0xF;
	v6, _, _ =	vpop (xrf0)  }
0x75: {  	s20 =	spop (v2sf);
	(v2sf) =	vpush v6, $0xF;
	v6, _, _ =	vpop (xrf0)  }
0x76: {  	s1 =	spop (v2sf);
	(v2sf) =	vpush v6, $0xF;
	v6, _, _ =	vpop (xrf0)  }
0x77: {  	s5 =	spop (v2sf);
	(v2sf) =	vpush v6, $0xF;
	v6, _, _ =	vpop (xrf0)  }
0x78: {  	s6 =	sand.u32 $0x7F, s8;
	s14 =	sand.u32 $0xFFFFF80, s16;
	s17 =	spop (v2sf);
	[tilespmem:v5+s22+$0x0] =	vst.idx.msk $0xffff, v4;
	(v2sf) =	vpush v6, $0xF;
	v4, _, _ =	vpop (xrf0)  }
0x79: {  	s8 =	simm.s32 $0x2;
	s9 =	sadd.s32 s7, s14;
	s14 =	simm.s32 $0x1;
	v7 =	vor.u32 s6, v0;
	(v2sf) =	vpush v4, $0xF  }
0x7a: {  	v5 =	vmov s14;
	[tilespmem:s24], [sflag:$0x1] =	stream.strided.gather [hbm4b:s9+s11], $0x1000, s12, s11, $0x38;
	[tilespmem:$0xC280] =	vst v63  }
0x7b: {  	v4 =	vshll.u32 v5, $0x3;
	_ =	swait.ge [sflag:s8], $0x1000  }
0x7c: {  	v5 =	vand.u32 $0x71, v5;
	v4 =	vand.u32 $0xC00, v4;
	[sflag:s8] =	ssyncset.done $0x0  }
0x7d: {  	v4 =	vor.u32 v5, v4;
	[sflag:s8] =	ssyncadd.s32 $0xFFFFF000  }
0x7e: {  	v6 =	vor.u32 v1, v4;
	v5 =	vld.idx.msk [tilespmem:v7+s19+$0x0], $0xffff  }
0x7f: {  	v7 =	vor.u32 s6, v3;
	_ =	sdelay $0x2  }
0x80: {  	s19 =	spop (v2sf)  }
0x81: {  	s28 =	simm.s32 $0x1280;
	[tilespmem:v6+s22+$0x0] =	vst.idx.msk $0xffff, v5;
	s24 =	spop (v2sf)  }
0x82: {  	v4 =	vor.u32 v2, v4;
	v5 =	vld.idx.msk [tilespmem:v7+s28+$0x0], $0xffff;
	[dreg:$0x1a] =	wrdreg s24;
	s25 =	spop (v2sf)  }
0x83: {  	[dreg:$0x19] =	wrdreg s25;
	s26 =	spop (v2sf)  }
0x84: {  	s0 =	simm.s32 $0x3;
	[dreg:$0x18] =	wrdreg s26;
	s6 =	spop (v2sf)  }
0x85: {  	s14 =	sand.u32 $0x7F, s4;
	[dreg:$0x17] =	wrdreg s6;
	s26 =	spop (v2sf)  }
0x86: {  	s9 =	sand.u32 $0xFFFFF80, s13;
	(v2sf) =	vpush v10, $0xF;
	[dreg:$0x16] =	wrdreg s26;
	s4 =	spop (v2sf)  }
0x87: {  	v6 =	vor.u32 s14, v0;
	s24 =	sadd.s32 s7, s9;
	[tilespmem:v4+s22+$0x0] =	vst.idx.msk $0xffff, v5;
	s26 =	simm.s32 $0x2;
	[dreg:$0x15] =	wrdreg s4  }
0x88: {  	[tilespmem:s28], [sflag:$0x2] =	stream.strided.gather [hbm4b:s24+s11], $0x1000, s12, s11, $0x38;
	v4 =	vmov s26;
	[tilespmem:$0xC280] =	vst v63  }
0x89: {  	_ =	swait.ge [sflag:s0], $0x1000;
	v5 =	vshll.u32 v4, $0x3  }
0x8a: {  	v4 =	vand.u32 $0x72, v4;
	[sflag:s0] =	ssyncset.done $0x0;
	v5 =	vand.u32 $0xC00, v5  }
0x8b: {  	[sflag:s0] =	ssyncadd.s32 $0xFFFFF000;
	v4 =	vor.u32 v4, v5  }
0x8c: {  	v5 =	vld.idx.msk [tilespmem:v6+s29+$0x0], $0xffff;
	v6 =	vor.u32 v1, v4  }
0x8d: {  	v7 =	vor.u32 s14, v3;
	_ =	sdelay $0x3  }
0x8e: {  	[tilespmem:v6+s22+$0x0] =	vst.idx.msk $0xffff, v5  }
0x8f: {  	v4 =	vor.u32 v2, v4;
	v5 =	vld.idx.msk [tilespmem:v7+s29+$0x0], $0xffff;
	_ =	sdelay $0x2  }
0x90: {  	s6 =	spop (v2sf)  }
0x91: {  	s9 =	sand.u32 $0xFFFFF80, s10;
	s24 =	sand.u32 $0x7F, s6  }
0x92: {  	s14 =	simm.s32 $0x3;
	s25 =	sadd.s32 s7, s9;
	s26 =	simm.s32 $0x4;
	v6 =	vor.u32 s24, v0;
	[tilespmem:v4+s22+$0x0] =	vst.idx.msk $0xffff, v5  }
0x93: {  	v4 =	vmov s14;
	[tilespmem:s29], [sflag:$0x3] =	stream.strided.gather [hbm4b:s25+s11], $0x1000, s12, s11, $0x38;
	[tilespmem:$0xC280] =	vst v63  }
0x94: {  	v5 =	vshll.u32 v4, $0x3;
	_ =	swait.ge [sflag:s26], $0x1000  }
0x95: {  	v4 =	vand.u32 $0x73, v4;
	v5 =	vand.u32 $0xC00, v5;
	[sflag:s26] =	ssyncset.done $0x0  }
0x96: {  	v4 =	vor.u32 v4, v5;
	[sflag:s26] =	ssyncadd.s32 $0xFFFFF000  }
0x97: {  	v5 =	vld.idx.msk [tilespmem:v6+s18+$0x0], $0xffff;
	v6 =	vor.u32 v1, v4  }
0x98: {  	v7 =	vor.u32 s24, v3;
	_ =	sdelay $0x3  }
0x99: {  	[tilespmem:v6+s22+$0x0] =	vst.idx.msk $0xffff, v5  }
0x9a: {  	v4 =	vor.u32 v2, v4;
	v5 =	vld.idx.msk [tilespmem:v7+s18+$0x0], $0xffff;
	_ =	sdelay $0x3  }
0x9b: {  	s23 =	sand.u32 $0x7F, s23;
	s9 =	smov.u32 s2;
	s25 =	sand.u32 $0xFFFFF80, s2  }
0x9c: {  	s4 =	simm.s32 $0x4;
	s2 =	simm.s32 $0x5;
	s24 =	sadd.s32 s7, s25;
	v6 =	vor.u32 s23, v0;
	[tilespmem:v4+s22+$0x0] =	vst.idx.msk $0xffff, v5  }
0x9d: {  	v4 =	vmov s4;
	[tilespmem:s18], [sflag:$0x4] =	stream.strided.gather [hbm4b:s24+s11], $0x1000, s12, s11, $0x38;
	[tilespmem:$0xC280] =	vst v63  }
0x9e: {  	v5 =	vshll.u32 v4, $0x3;
	_ =	swait.ge [sflag:s2], $0x1000  }
0x9f: {  	v4 =	vand.u32 $0x74, v4;
	v5 =	vand.u32 $0xC00, v5;
	[sflag:s2] =	ssyncset.done $0x0  }
0xa0: {  	s31 =	simm.s32 $0x4280;
	v4 =	vor.u32 v4, v5;
	[sflag:s2] =	ssyncadd.s32 $0xFFFFF000  }
0xa1: {  	v5 =	vld.idx.msk [tilespmem:v6+s31+$0x0], $0xffff;
	v6 =	vor.u32 v1, v4  }
0xa2: {  	v7 =	vor.u32 s23, v3;
	_ =	sdelay $0x3  }
0xa3: {  	[tilespmem:v6+s22+$0x0] =	vst.idx.msk $0xffff, v5  }
0xa4: {  	v4 =	vor.u32 v2, v4;
	v5 =	vld.idx.msk [tilespmem:v7+s31+$0x0], $0xffff;
	_ =	sdelay $0x3  }
0xa5: {  	s21 =	sand.u32 $0x7F, s21;
	s6 =	sand.u32 $0xFFFFF80, s30  }
0xa6: {  	s14 =	simm.s32 $0x5;
	s23 =	sadd.s32 s7, s6;
	s24 =	simm.s32 $0x6;
	v6 =	vor.u32 s21, v0;
	[tilespmem:v4+s22+$0x0] =	vst.idx.msk $0xffff, v5  }
0xa7: {  	v4 =	vmov s14;
	[tilespmem:s31], [sflag:$0x5] =	stream.strided.gather [hbm4b:s23+s11], $0x1000, s12, s11, $0x38;
	[tilespmem:$0xC280] =	vst v63  }
0xa8: {  	v5 =	vshll.u32 v4, $0x3;
	_ =	swait.ge [sflag:s24], $0x1000  }
0xa9: {  	v4 =	vand.u32 $0x75, v4;
	v5 =	vand.u32 $0xC00, v5;
	[sflag:s24] =	ssyncset.done $0x0  }
0xaa: {  	s28 =	simm.s32 $0x5280;
	v4 =	vor.u32 v4, v5;
	[sflag:s24] =	ssyncadd.s32 $0xFFFFF000  }
0xab: {  	v5 =	vld.idx.msk [tilespmem:v6+s28+$0x0], $0xffff;
	v6 =	vor.u32 v1, v4  }
0xac: {  	v7 =	vor.u32 s21, v3;
	_ =	sdelay $0x3  }
0xad: {  	[tilespmem:v6+s22+$0x0] =	vst.idx.msk $0xffff, v5  }
0xae: {  	v4 =	vor.u32 v2, v4;
	v5 =	vld.idx.msk [tilespmem:v7+s28+$0x0], $0xffff;
	_ =	sdelay $0x3  }
0xaf: {  	s20 =	sand.u32 $0x7F, s20;
	s31 =	sand.u32 $0xFFFFF80, s1  }
0xb0: {  	s4 =	simm.s32 $0x6;
	s23 =	simm.s32 $0x7;
	s21 =	sadd.s32 s7, s31;
	v6 =	vor.u32 s20, v0;
	[tilespmem:v4+s22+$0x0] =	vst.idx.msk $0xffff, v5  }
0xb1: {  	v4 =	vmov s4;
	[tilespmem:s28], [sflag:$0x6] =	stream.strided.gather [hbm4b:s21+s11], $0x1000, s12, s11, $0x38;
	[tilespmem:$0xC280] =	vst v63  }
0xb2: {  	v5 =	vshll.u32 v4, $0x3;
	_ =	swait.ge [sflag:s23], $0x1000  }
0xb3: {  	v4 =	vand.u32 $0x76, v4;
	v5 =	vand.u32 $0xC00, v5;
	[sflag:s23] =	ssyncset.done $0x0  }
0xb4: {  	s25 =	simm.s32 $0x6280;
	v4 =	vor.u32 v4, v5;
	[sflag:s23] =	ssyncadd.s32 $0xFFFFF000  }
0xb5: {  	v5 =	vld.idx.msk [tilespmem:v6+s25+$0x0], $0xffff;
	v6 =	vor.u32 v1, v4  }
0xb6: {  	v7 =	vor.u32 s20, v3;
	_ =	sdelay $0x3  }
0xb7: {  	[tilespmem:v6+s22+$0x0] =	vst.idx.msk $0xffff, v5  }
0xb8: {  	v4 =	vor.u32 v2, v4;
	v5 =	vld.idx.msk [tilespmem:v7+s25+$0x0], $0xffff;
	_ =	sdelay $0x3  }
0xb9: {  	s15 =	sand.u32 $0x7F, s15;
	s4 =	smov.u32 s5;
	s5 =	sand.u32 $0xFFFFF80, s5  }
0xba: {  	s6 =	simm.s32 $0x7;
	s20 =	sadd.s32 s7, s5;
	s21 =	simm.s32 $0x8;
	v6 =	vor.u32 s15, v0;
	[tilespmem:v4+s22+$0x0] =	vst.idx.msk $0xffff, v5  }
0xbb: {  	v4 =	vmov s6;
	[tilespmem:s25], [sflag:$0x7] =	stream.strided.gather [hbm4b:s20+s11], $0x1000, s12, s11, $0x38;
	[tilespmem:$0xC280] =	vst v63  }
0xbc: {  	v5 =	vshll.u32 v4, $0x3;
	_ =	swait.ge [sflag:s21], $0x1000  }
0xbd: {  	v4 =	vand.u32 $0x77, v4;
	v5 =	vand.u32 $0xC00, v5;
	[sflag:s21] =	ssyncset.done $0x0  }
0xbe: {  	s31 =	simm.s32 $0x7280;
	v4 =	vor.u32 v4, v5;
	[sflag:s21] =	ssyncadd.s32 $0xFFFFF000  }
0xbf: {  	v5 =	vld.idx.msk [tilespmem:v6+s31+$0x0], $0xffff;
	v6 =	vor.u32 v1, v4  }
0xc0: {  	v7 =	vor.u32 s15, v3;
	_ =	sdelay $0x3  }
0xc1: {  	s14 =	smov.u32 s1;
	s1 =	simm.s32 $0x7280;
	[tilespmem:v6+s22+$0x0] =	vst.idx.msk $0xffff, v5  }
0xc2: {  	v4 =	vor.u32 v2, v4;
	v5 =	vld.idx.msk [tilespmem:v7+s1+$0x0], $0xffff;
	_ =	sdelay $0x3  }
0xc3: {  	s5 =	sand.u32 $0xFFFFF80, s17;
	s15 =	sand.u32 $0x7F, s16  }
0xc4: {  	s16 =	sadd.s32 s7, s5;
	s6 =	simm.s32 $0x8;
	s31 =	simm.s32 $0x7280;
	v6 =	vor.u32 s15, v0;
	[tilespmem:v4+s22+$0x0] =	vst.idx.msk $0xffff, v5  }
0xc5: {  	v4 =	vmov s6;
	[tilespmem:s31], [sflag:$0x8] =	stream.strided.gather [hbm4b:s16+s11], $0x1000, s12, s11, $0x38;
	[tilespmem:$0xC280] =	vst v63  }
0xc6: {  	v5 =	vshll.u32 v4, $0x3;
	_ =	swait.ge [sflag:s3], $0x1000  }
0xc7: {  	v4 =	vand.u32 $0x78, v4;
	v5 =	vand.u32 $0xC00, v5;
	[sflag:s3] =	ssyncset.done $0x0  }
0xc8: {  	s1 =	simm.s32 $0x280;
	v4 =	vor.u32 v4, v5;
	[sflag:s3] =	ssyncadd.s32 $0xFFFFF000  }
0xc9: {  	v5 =	vld.idx.msk [tilespmem:v6+s1+$0x0], $0xffff;
	v6 =	vor.u32 v1, v4  }
0xca: {  	v7 =	vor.u32 s15, v3;
	_ =	sdelay $0x3  }
0xcb: {  	[tilespmem:v6+s22+$0x0] =	vst.idx.msk $0xffff, v5  }
0xcc: {  	v4 =	vor.u32 v2, v4;
	v5 =	vld.idx.msk [tilespmem:v7+s1+$0x0], $0xffff;
	_ =	sdelay $0x2  }
0xcd: {  	p0 =	por $0x0, $0x0;
	s15 =	sand.u32 $0x1FFFFF80, s19  }
0xce: {  	s13 =	sand.u32 $0x7F, s13;
	s15 =	simm.s32 @p0 $0x0  }
0xcf: {  	s5 =	simm.s32 $0x280;
	s15 =	sadd.s32 s7, s15;
	s6 =	simm.s32 $0x9;
	v6 =	vor.u32 s13, v0;
	[tilespmem:v4+s22+$0x0] =	vst.idx.msk $0xffff, v5  }
0xd0: {  	v4 =	vmov s6;
	[tilespmem:s5], [sflag:$0x1] =	stream.strided.gather [hbm4b:s15+s11], $0x1000, s12, s11, $0x38;
	[tilespmem:$0xC280] =	vst v63  }
0xd1: {  	v5 =	vshll.u32 v4, $0x3;
	_ =	swait.ge [sflag:s8], $0x1000  }
0xd2: {  	v4 =	vand.u32 $0x79, v4;
	v5 =	vand.u32 $0xC00, v5;
	[sflag:s8] =	ssyncset.done $0x0  }
0xd3: {  	s19 =	simm.s32 $0x1280;
	v4 =	vor.u32 v4, v5;
	[sflag:s8] =	ssyncadd.s32 $0xFFFFF000  }
0xd4: {  	v5 =	vld.idx.msk [tilespmem:v6+s19+$0x0], $0xffff;
	v6 =	vor.u32 v1, v4  }
0xd5: {  	v7 =	vor.u32 s13, v3;
	_ =	sdelay $0x3  }
0xd6: {  	[tilespmem:v6+s22+$0x0] =	vst.idx.msk $0xffff, v5  }
0xd7: {  	v4 =	vor.u32 v2, v4;
	v5 =	vld.idx.msk [tilespmem:v7+s19+$0x0], $0xffff;
	_ =	sdelay $0x1  }
0xd8: {  	s16 =	rddreg [dreg:$0x1a]  }
0xd9: {  	s13 =	sand.u32 $0x1FFFFF80, s16  }
0xda: {  	s20 =	sand.u32 $0x7F, s10;
	s13 =	simm.s32 @p0 $0x0  }
0xdb: {  	s31 =	simm.s32 $0xA;
	s13 =	sadd.s32 s7, s13;
	v6 =	vor.u32 s20, v0;
	[tilespmem:v4+s22+$0x0] =	vst.idx.msk $0xffff, v5  }
0xdc: {  	v4 =	vmov s31;
	[tilespmem:s19], [sflag:$0x2] =	stream.strided.gather [hbm4b:s13+s11], $0x1000, s12, s11, $0x38;
	[tilespmem:$0xC280] =	vst v63  }
0xdd: {  	v5 =	vshll.u32 v4, $0x3;
	_ =	swait.ge [sflag:s0], $0x1000  }
0xde: {  	v4 =	vand.u32 $0x7A, v4;
	v5 =	vand.u32 $0xC00, v5;
	[sflag:s0] =	ssyncset.done $0x0  }
0xdf: {  	v4 =	vor.u32 v4, v5;
	[sflag:s0] =	ssyncadd.s32 $0xFFFFF000  }
0xe0: {  	v5 =	vld.idx.msk [tilespmem:v6+s29+$0x0], $0xffff;
	v6 =	vor.u32 v1, v4  }
0xe1: {  	v7 =	vor.u32 s20, v3;
	_ =	sdelay $0x3  }
0xe2: {  	[tilespmem:v6+s22+$0x0] =	vst.idx.msk $0xffff, v5  }
0xe3: {  	v4 =	vor.u32 v2, v4;
	v5 =	vld.idx.msk [tilespmem:v7+s29+$0x0], $0xffff;
	_ =	sdelay $0x1  }
0xe4: {  	s3 =	rddreg [dreg:$0x19]  }
0xe5: {  	s1 =	sand.u32 $0x1FFFFF80, s3  }
0xe6: {  	s5 =	sand.u32 $0x7F, s9;
	s1 =	simm.s32 @p0 $0x0  }
0xe7: {  	s6 =	simm.s32 $0xB;
	s1 =	sadd.s32 s7, s1;
	v6 =	vor.u32 s5, v0;
	[tilespmem:v4+s22+$0x0] =	vst.idx.msk $0xffff, v5  }
0xe8: {  	v4 =	vmov s6;
	[tilespmem:s29], [sflag:$0x3] =	stream.strided.gather [hbm4b:s1+s11], $0x1000, s12, s11, $0x38;
	[tilespmem:$0xC280] =	vst v63  }
0xe9: {  	v5 =	vshll.u32 v4, $0x3;
	_ =	swait.ge [sflag:s26], $0x1000  }
0xea: {  	v4 =	vand.u32 $0x7B, v4;
	v5 =	vand.u32 $0xC00, v5;
	[sflag:s26] =	ssyncset.done $0x0  }
0xeb: {  	v4 =	vor.u32 v4, v5;
	[sflag:s26] =	ssyncadd.s32 $0xFFFFF000  }
0xec: {  	v5 =	vld.idx.msk [tilespmem:v6+s18+$0x0], $0xffff;
	v6 =	vor.u32 v1, v4  }
0xed: {  	v7 =	vor.u32 s5, v3;
	_ =	sdelay $0x3  }
0xee: {  	[tilespmem:v6+s22+$0x0] =	vst.idx.msk $0xffff, v5  }
0xef: {  	v4 =	vor.u32 v2, v4;
	v5 =	vld.idx.msk [tilespmem:v7+s18+$0x0], $0xffff;
	_ =	sdelay $0x1  }
0xf0: {  	s8 =	rddreg [dreg:$0x18]  }
0xf1: {  	s8 =	sand.u32 $0x1FFFFF80, s8  }
0xf2: {  	s9 =	sand.u32 $0x7F, s30;
	s8 =	simm.s32 @p0 $0x0  }
0xf3: {  	s10 =	simm.s32 $0xC;
	s8 =	sadd.s32 s7, s8;
	v6 =	vor.u32 s9, v0;
	[tilespmem:v4+s22+$0x0] =	vst.idx.msk $0xffff, v5  }
0xf4: {  	v4 =	vmov s10;
	[tilespmem:s18], [sflag:$0x4] =	stream.strided.gather [hbm4b:s8+s11], $0x1000, s12, s11, $0x38;
	[tilespmem:$0xC280] =	vst v63  }
0xf5: {  	v5 =	vshll.u32 v4, $0x3;
	_ =	swait.ge [sflag:s2], $0x1000  }
0xf6: {  	v4 =	vand.u32 $0x7C, v4;
	v5 =	vand.u32 $0xC00, v5;
	[sflag:s2] =	ssyncset.done $0x0  }
0xf7: {  	s13 =	simm.s32 $0x4280;
	v4 =	vor.u32 v4, v5;
	[sflag:s2] =	ssyncadd.s32 $0xFFFFF000  }
0xf8: {  	v5 =	vld.idx.msk [tilespmem:v6+s13+$0x0], $0xffff;
	v6 =	vor.u32 v1, v4  }
0xf9: {  	v7 =	vor.u32 s9, v3;
	_ =	sdelay $0x3  }
0xfa: {  	[tilespmem:v6+s22+$0x0] =	vst.idx.msk $0xffff, v5  }
0xfb: {  	v4 =	vor.u32 v2, v4;
	v5 =	vld.idx.msk [tilespmem:v7+s13+$0x0], $0xffff;
	_ =	sdelay $0x1  }
0xfc: {  	s15 =	rddreg [dreg:$0x17]  }
0xfd: {  	s0 =	sand.u32 $0x1FFFFF80, s15  }
0xfe: {  	s16 =	sand.u32 $0x7F, s14;
	s0 =	simm.s32 @p0 $0x0  }
0xff: {  	s18 =	simm.s32 $0xD;
	s0 =	sadd.s32 s7, s0;
	v6 =	vor.u32 s16, v0;
	[tilespmem:v4+s22+$0x0] =	vst.idx.msk $0xffff, v5  }
0x100: {  	v4 =	vmov s18;
	[tilespmem:s13], [sflag:$0x5] =	stream.strided.gather [hbm4b:s0+s11], $0x1000, s12, s11, $0x38;
	[tilespmem:$0xC280] =	vst v63  }
0x101: {  	v5 =	vshll.u32 v4, $0x3;
	_ =	swait.ge [sflag:s24], $0x1000  }
0x102: {  	v4 =	vand.u32 $0x7D, v4;
	v5 =	vand.u32 $0xC00, v5;
	[sflag:s24] =	ssyncset.done $0x0  }
0x103: {  	v4 =	vor.u32 v4, v5;
	[sflag:s24] =	ssyncadd.s32 $0xFFFFF000  }
0x104: {  	v5 =	vld.idx.msk [tilespmem:v6+s28+$0x0], $0xffff;
	v6 =	vor.u32 v1, v4  }
0x105: {  	v7 =	vor.u32 s16, v3;
	_ =	sdelay $0x3  }
0x106: {  	[tilespmem:v6+s22+$0x0] =	vst.idx.msk $0xffff, v5  }
0x107: {  	v4 =	vor.u32 v2, v4;
	v5 =	vld.idx.msk [tilespmem:v7+s28+$0x0], $0xffff;
	_ =	sdelay $0x1  }
0x108: {  	s20 =	rddreg [dreg:$0x16]  }
0x109: {  	s0 =	sand.u32 $0x1FFFFF80, s20  }
0x10a: {  	s24 =	sand.u32 $0x7F, s4;
	s0 =	simm.s32 @p0 $0x0  }
0x10b: {  	s26 =	simm.s32 $0xE;
	s0 =	sadd.s32 s7, s0;
	v6 =	vor.u32 s24, v0;
	[tilespmem:v4+s22+$0x0] =	vst.idx.msk $0xffff, v5  }
0x10c: {  	v4 =	vmov s26;
	[tilespmem:s28], [sflag:$0x6] =	stream.strided.gather [hbm4b:s0+s11], $0x1000, s12, s11, $0x38;
	[tilespmem:$0xC280] =	vst v63  }
0x10d: {  	v5 =	vshll.u32 v4, $0x3;
	_ =	swait.ge [sflag:s23], $0x1000  }
0x10e: {  	v4 =	vand.u32 $0x7E, v4;
	v5 =	vand.u32 $0xC00, v5;
	[sflag:s23] =	ssyncset.done $0x0  }
0x10f: {  	v4 =	vor.u32 v4, v5;
	[sflag:s23] =	ssyncadd.s32 $0xFFFFF000  }
0x110: {  	v5 =	vld.idx.msk [tilespmem:v6+s25+$0x0], $0xffff;
	v6 =	vor.u32 v1, v4  }
0x111: {  	v7 =	vor.u32 s24, v3;
	_ =	sdelay $0x3  }
0x112: {  	[tilespmem:v6+s22+$0x0] =	vst.idx.msk $0xffff, v5  }
0x113: {  	v4 =	vor.u32 v2, v4;
	v5 =	vld.idx.msk [tilespmem:v7+s25+$0x0], $0xffff;
	_ =	sdelay $0x1  }
0x114: {  	s29 =	rddreg [dreg:$0x15]  }
0x115: {  	s0 =	sand.u32 $0x1FFFFF80, s29  }
0x116: {  	s30 =	sand.u32 $0x7F, s17;
	s0 =	simm.s32 @p0 $0x0  }
0x117: {  	s31 =	simm.s32 $0xF;
	s0 =	sadd.s32 s7, s0;
	v6 =	vor.u32 s30, v0;
	[tilespmem:v4+s22+$0x0] =	vst.idx.msk $0xffff, v5  }
0x118: {  	v4 =	vmov s31;
	[tilespmem:s25], [sflag:$0x7] =	stream.strided.gather [hbm4b:s0+s11], $0x1000, s12, s11, $0x38;
	[tilespmem:$0xC280] =	vst v63  }
0x119: {  	v5 =	vshll.u32 v4, $0x3;
	_ =	swait.ge [sflag:s21], $0x1000  }
0x11a: {  	v4 =	vand.u32 $0x7F, v4;
	v5 =	vand.u32 $0xC00, v5;
	[sflag:s21] =	ssyncset.done $0x0  }
0x11b: {  	s9 =	simm.s32 $0x7280;
	v5 =	vor.u32 v4, v5;
	[sflag:s21] =	ssyncadd.s32 $0xFFFFF000  }
0x11c: {  	v4 =	vld.idx.msk [tilespmem:v6+s9+$0x0], $0xffff;
	v6 =	vor.u32 v1, v5  }
0x11d: {  	v7 =	vor.u32 s30, v3;
	_ =	sdelay $0x3  }
0x11e: {  	[tilespmem:v6+s22+$0x0] =	vst.idx.msk $0xffff, v4  }
0x11f: {  	s16 =	simm.s32 $0x1F;
	v5 =	vor.u32 v2, v5;
	v4 =	vld.idx.msk [tilespmem:v7+s9+$0x0], $0xffff  }
.LBB2_2:
0x120: {  	_ =	sdelay $0x2  }
0x121: {  	s1 =	rddreg [dreg:$0x4]  }
0x122: {  	s1 =	sadd.s32 $0x10, s1;
	[tilespmem:v5+s22+$0x0] =	vst.idx.msk $0xffff, v4  }
0x123: {  	v4 =	vld [tilespmem:s1+$0xFFFFFFF0];
	_ =	sdelay $0x4  }
0x124: {  	v6 =	vsel vm7, $0x0, v4  }
0x125: {  	v6 =	vxor.u32 $0x80000000, v6  }
0x126: {  	v7 =	vnsel vm0, $0x0, v4;
	(xrf0) =	vmax.scan.msk.u32 $0xffff, v6  }
0x127: {  	v7 =	vxor.u32 $0x80000000, v7  }
0x128: {  	v5 =	vsel vm1, $0x0, v4;
	v9 =	vsel vm2, $0x0, v4;
	(xrf0) =	vmax.scan.msk.u32 $0xffff, v7  }
0x129: {  	v8 =	vsel vm8, $0x0, v4;
	v5 =	vxor.u32 $0x80000000, v5;
	v6 =	vxor.u32 $0x80000000, v9  }
0x12a: {  	v8 =	vxor.u32 $0x80000000, v8;
	(xrf0) =	vmax.scan.msk.u32 $0xffff, v5  }
0x12b: {  	v41 =	vsel vm3, $0x0, v4;
	v10 =	vsel vm9, $0x0, v4;
	v11 =	vsel vm10, $0x0, v4;
	(xrf0) =	vmax.scan.msk.u32 $0xffff, v8  }
0x12c: {  	v10 =	vxor.u32 $0x80000000, v10;
	v14 =	vxor.u32 $0x80000000, v41;
	v7 =	vsel vm4, $0x0, v4;
	(xrf0) =	vmax.scan.msk.u32 $0xffff, v6;
	v6, _, _ =	vpop (xrf0)  }
0x12d: {  	v5 =	vxor.u32 $0x80000000, v7;
	v7 =	vxor.u32 $0x80000000, v11;
	(xrf0) =	vmax.scan.msk.u32 $0xffff, v10;
	(v2sf) =	vpush v6, $0xF  }
0x12e: {  	v42 =	vsel vm11, $0x0, v4;
	v43 =	vsel vm5, $0x0, v4;
	(xrf0) =	vmax.scan.msk.u32 $0xffff, v14;
	v6, _, _ =	vpop (xrf0)  }
0x12f: {  	v12 =	vsel vm12, $0x0, v4;
	v45 =	vsel vm6, $0x0, v4;
	(xrf0) =	vmax.scan.msk.u32 $0xffff, v7;
	(v2sf) =	vpush v6, $0xF  }
0x130: {  	v46 =	vsel vm13, $0x0, v4;
	v13 =	vsel vm14, $0x0, v4;
	v11 =	vxor.u32 $0x80000000, v42;
	v7, _, _ =	vpop (xrf0);
	(xrf0) =	vmax.scan.msk.u32 $0xffff, v5  }
0x131: {  	v47 =	vsel vm15, $0x0, v4;
	v8 =	vxor.u32 $0x80000000, v43;
	(v2sf) =	vpush v7, $0xF;
	v4, _, _ =	vpop (xrf0);
	(xrf0) =	vmax.scan.msk.u32 $0xffff, v11  }
0x132: {  	v44 =	vxor.u32 $0x80000000, v12;
	v6, _, _ =	vpop (xrf0);
	(xrf0) =	vmax.scan.msk.u32 $0xffff, v8  }
0x133: {  	v7 =	vxor.u32 $0x80000000, v45;
	(v2sf) =	vpush v4, $0xF;
	v48, _, _ =	vpop (xrf0);
	(xrf0) =	vmax.scan.msk.u32 $0xffff, v44  }
0x134: {  	v12 =	vxor.u32 $0x80000000, v46;
	v4, _, _ =	vpop (xrf0);
	(xrf0) =	vmax.scan.msk.u32 $0xffff, v7;
	(v2sf) =	vpush v48, $0xF  }
0x135: {  	v13 =	vxor.u32 $0x80000000, v13;
	v5 =	vxor.u32 $0x80000000, v47;
	(v2sf) =	vpush v6, $0xF;
	v6, _, _ =	vpop (xrf0);
	(xrf0) =	vmax.scan.msk.u32 $0xffff, v12  }
0x136: {  	v7, _, _ =	vpop (xrf0);
	(v2sf) =	vpush v6, $0xF;
	(xrf0) =	vmax.scan.msk.u32 $0xffff, v13  }
0x137: {  	(v2sf) =	vpush v7, $0xF;
	v6, _, _ =	vpop (xrf0);
	(xrf0) =	vmax.scan.msk.u32 $0xffff, v5  }
0x138: {  	v5, _, _ =	vpop (xrf0);
	(v2sf) =	vpush v6, $0xF  }
0x139: {  	(v2sf) =	vpush v5, $0xF;
	v5, _, _ =	vpop (xrf0)  }
0x13a: {  	v6, _, _ =	vpop (xrf0);
	(v2sf) =	vpush v5, $0xF  }
0x13b: {  	(v2sf) =	vpush v6, $0xF;
	v5, _, _ =	vpop (xrf0)  }
0x13c: {  	(v2sf) =	vpush v5, $0xF;
	v5, _, _ =	vpop (xrf0);
	s0 =	spop (v2sf)  }
0x13d: {  	(v2sf) =	vpush v5, $0xF;
	v5, _, _ =	vpop (xrf0);
	s4 =	sand.u32 $0xFFFFF80, s0  }
0x13e: {  	s5 =	smov.u32 s16;
	(v2sf) =	vpush v5, $0xF;
	s6 =	spop (v2sf);
	s4 =	sadd.s32 s7, s4  }
0x13f: {  	v5 =	vld [tilespmem:s1+$0x0];
	[tilespmem:s9], [sflag:$0x8] =	stream.strided.gather [hbm4b:s4+s11], $0x1000, s12, s11, $0x38  }
0x140: {  	[dreg:$0x4] =	wrdreg s1;
	s13 =	spop (v2sf);
	s9 =	simm.s32 $0x1  }
0x141: {  	s3 =	sadd.s32 $0xFFFFFFF1, s5;
	s8 =	sand.u32 $0x7F, s6;
	_ =	swait.ge [sflag:s9], $0x1000  }
0x142: {  	v6 =	vmov s3;
	v7 =	vor.u32 s8, v0;
	s21 =	spop (v2sf)  }
0x143: {  	v49 =	vshll.u32 v6, $0x3;
	s23 =	spop (v2sf)  }
0x144: {  	v6 =	vand.u32 $0x70, v6;
	v8 =	vand.u32 $0xC00, v49;
	v50 =	vnsel vm0, $0x0, v5;
	s24 =	spop (v2sf)  }
0x145: {  	v6 =	vor.u32 v6, v8;
	[sflag:s9] =	ssyncset.done $0x0;
	v51 =	vsel vm1, $0x0, v5;
	v8 =	vxor.u32 $0x80000000, v50;
	s25 =	spop (v2sf)  }
0x146: {  	s1 =	simm.s32 $0x280;
	v52 =	vsel vm2, $0x0, v5;
	[sflag:s9] =	ssyncadd.s32 $0xFFFFF000;
	v9 =	vxor.u32 $0x80000000, v51;
	(xrf0) =	vmax.scan.msk.u32 $0xffff, v8;
	s29 =	spop (v2sf)  }
0x147: {  	s17 =	sand.u32 $0x7F, s0;
	v53 =	vor.u32 v1, v6;
	v54 =	vsel vm3, $0x0, v5;
	v10 =	vxor.u32 $0x80000000, v52;
	s2 =	sand.u32 $0x7F, s23;
	v7 =	vld.idx.msk [tilespmem:v7+s1+$0x0], $0xffff;
	(xrf0) =	vmax.scan.msk.u32 $0xffff, v9;
	s31 =	spop (v2sf)  }
0x148: {  	v55 =	vor.u32 s8, v3;
	s13 =	sand.u32 $0x7F, s13;
	v57 =	vsel vm4, $0x0, v5;
	v56 =	vxor.u32 $0x80000000, v54;
	[dreg:$0xb] =	wrdreg s2;
	(xrf0) =	vmax.scan.msk.u32 $0xffff, v10;
	s2 =	spop (v2sf)  }
0x149: {  	v58 =	vsel vm5, $0x0, v5;
	v5 =	vsel vm6, $0x0, v5;
	s15 =	sand.u32 $0xFFFFF80, s21;
	s0 =	sand.u32 $0x7F, s21;
	v59 =	vxor.u32 $0x80000000, v57;
	(xrf0) =	vmax.scan.msk.u32 $0xffff, v56;
	s14 =	spop (v2sf)  }
0x14a: {  	v60 =	vxor.u32 $0x80000000, v58;
	v5 =	vxor.u32 $0x80000000, v5;
	s4 =	sand.u32 $0xFFFFF80, s23;
	[dreg:$0xc] =	wrdreg s0;
	(xrf0) =	vmax.scan.msk.u32 $0xffff, v59;
	s20 =	spop (v2sf)  }
0x14b: {  	s15 =	sadd.s32 s7, s15;
	(xrf0) =	vmax.scan.msk.u32 $0xffff, v60;
	s18 =	sand.u32 $0x7F, s14;
	s21 =	spop (v2sf)  }
0x14c: {  	s26 =	sand.u32 $0x7F, s25;
	[tilespmem:v53+s22+$0x0] =	vst.idx.msk $0xffff, v7;
	v61, _, _ =	vpop (xrf0);
	(xrf0) =	vmax.scan.msk.u32 $0xffff, v5;
	[dreg:$0x8] =	wrdreg s18;
	s18 =	spop (v2sf)  }
0x14d: {  	v6 =	vor.u32 v2, v6;
	[dreg:$0xa] =	wrdreg s26;
	s10 =	sand.u32 $0x7F, s31;
	v7 =	vld.idx.msk [tilespmem:v55+s1+$0x0], $0xffff;
	v5, _, _ =	vpop (xrf0);
	s3 =	spop (v2sf);
	(v2sf) =	vpush v61, $0xF  }
0x14e: {  	s0 =	sand.u32 $0xFFFFF80, s25;
	[dreg:$0x9] =	wrdreg s10;
	s23 =	sand.u32 $0x7F, s21;
	(v2sf) =	vpush v5, $0xF;
	v5, _, _ =	vpop (xrf0)  }
0x14f: {  	s30 =	sand.u32 $0xFFFFF80, s31;
	[dreg:$0x7] =	wrdreg s23;
	s31 =	sand.u32 $0x7F, s18;
	(v2sf) =	vpush v5, $0xF;
	v5, _, _ =	vpop (xrf0)  }
0x150: {  	s25 =	sand.u32 $0x7F, s2;
	[dreg:$0x6] =	wrdreg s31;
	s8 =	sand.u32 $0xFFFFF80, s3;
	(v2sf) =	vpush v5, $0xF;
	v5, _, _ =	vpop (xrf0)  }
0x151: {  	s2 =	simm.s32 $0x2;
	s10 =	sand.u32 $0x7F, s3;
	[dreg:$0xd] =	wrdreg s8;
	(v2sf) =	vpush v5, $0xF;
	v5, _, _ =	vpop (xrf0)  }
0x152: {  	v62 =	vor.u32 s13, v0;
	s28 =	sand.u32 $0xFFFFF80, s14;
	s14 =	sadd.s32 $0xFFFFFFF2, s5;
	[dreg:$0x5] =	wrdreg s10;
	[tilespmem:v6+s22+$0x0] =	vst.idx.msk $0xffff, v7;
	(v2sf) =	vpush v5, $0xF;
	v5, _, _ =	vpop (xrf0)  }
0x153: {  	v6 =	vmov s14;
	[tilespmem:s1], [sflag:$0x1] =	stream.strided.gather [hbm4b:s15+s11], $0x1000, s12, s11, $0x38;
	(v2sf) =	vpush v5, $0xF;
	[tilespmem:$0xC280] =	vst v63  }
0x154: {  	v5 =	vshll.u32 v6, $0x3;
	_ =	swait.ge [sflag:s2], $0x1000  }
0x155: {  	v6 =	vand.u32 $0x71, v6;
	v5 =	vand.u32 $0xC00, v5;
	[sflag:s2] =	ssyncset.done $0x0  }
0x156: {  	v5 =	vor.u32 v6, v5;
	[sflag:s2] =	ssyncadd.s32 $0xFFFFF000  }
0x157: {  	v7 =	vor.u32 v1, v5;
	v6 =	vld.idx.msk [tilespmem:v62+s19+$0x0], $0xffff  }
0x158: {  	v63 =	vor.u32 s13, v3;
	_ =	sdelay $0x3  }
0x159: {  	s6 =	sand.u32 $0x7F, s24;
	s23 =	sand.u32 $0xFFFFF80, s18;
	s18 =	spop (v2sf);
	[tilespmem:v7+s22+$0x0] =	vst.idx.msk $0xffff, v6  }
0x15a: {  	s24 =	sand.u32 $0x7F, s20;
	s26 =	sand.u32 $0xFFFFF80, s21;
	v5 =	vor.u32 v2, v5;
	s20 =	spop (v2sf);
	v6 =	vld.idx.msk [tilespmem:v63+s19+$0x0], $0xffff  }
0x15b: {  	s10 =	simm.s32 $0x7A1400;
	s12 =	smov.u32 s7;
	s31 =	spop (v2sf)  }
0x15c: {  	s11 =	simm.s32 $0x400;
	s14 =	sadd.s32 s12, s4;
	s1 =	spop (v2sf)  }
0x15d: {  	s21 =	sand.u32 $0x1FFFFF80, s18;
	s19 =	sand.u32 $0x1FFFFF80, s20;
	s3 =	spop (v2sf)  }
0x15e: {  	s20 =	sadd.s32 $0xFFFFFFF3, s5;
	s18 =	sand.u32 $0x1FFFFF80, s31;
	s31 =	spop (v2sf)  }
0x15f: {  	s13 =	sand.u32 $0x1FFFFF80, s3;
	s3 =	simm.s32 $0x1280;
	s8 =	spop (v2sf);
	[tilespmem:v5+s22+$0x0] =	vst.idx.msk $0xffff, v6  }
0x160: {  	v7 =	vor.u32 s6, v0;
	(v2sf) =	vpush v4, $0xF;
	[tilespmem:s3], [sflag:$0x2] =	stream.strided.gather [hbm4b:s14+s11], $0x1000, s10, s11, $0x38;
	[tilespmem:$0xC280] =	vst v63  }
0x161: {  	v4 =	vmov s20;
	s4 =	sand.u32 $0x1FFFFF80, s8;
	s8 =	simm.s32 $0x3  }
0x162: {  	v5 =	vshll.u32 v4, $0x3;
	_ =	swait.ge [sflag:s8], $0x1000  }
0x163: {  	v4 =	vand.u32 $0x72, v4;
	v5 =	vand.u32 $0xC00, v5;
	[sflag:s8] =	ssyncset.done $0x0  }
0x164: {  	s20 =	simm.s32 $0x2280;
	v4 =	vor.u32 v4, v5;
	[sflag:s8] =	ssyncadd.s32 $0xFFFFF000  }
0x165: {  	v6 =	vor.u32 v1, v4;
	v5 =	vld.idx.msk [tilespmem:v7+s20+$0x0], $0xffff  }
0x166: {  	v7 =	vor.u32 s6, v3;
	_ =	sdelay $0x3  }
0x167: {  	[tilespmem:v6+s22+$0x0] =	vst.idx.msk $0xffff, v5  }
0x168: {  	v4 =	vor.u32 v2, v4;
	v5 =	vld.idx.msk [tilespmem:v7+s20+$0x0], $0xffff;
	_ =	sdelay $0x3  }
0x169: {  	s0 =	sadd.s32 s12, s0;
	s7 =	spop (v2sf)  }
0x16a: {  	s11 =	simm.s32 $0x400;
	s14 =	sadd.s32 $0xFFFFFFF4, s5;
	s6 =	sand.u32 $0x7F, s7;
	[tilespmem:v4+s22+$0x0] =	vst.idx.msk $0xffff, v5  }
0x16b: {  	v6 =	vor.u32 s6, v0;
	[tilespmem:s20], [sflag:$0x3] =	stream.strided.gather [hbm4b:s0+s11], $0x1000, s10, s11, $0x38;
	[tilespmem:$0xC280] =	vst v63  }
0x16c: {  	v4 =	vmov s14;
	s10 =	simm.s32 $0x4  }
0x16d: {  	v5 =	vshll.u32 v4, $0x3;
	_ =	swait.ge [sflag:s10], $0x1000  }
0x16e: {  	v4 =	vand.u32 $0x73, v4;
	v5 =	vand.u32 $0xC00, v5;
	[sflag:s10] =	ssyncset.done $0x0  }
0x16f: {  	s14 =	simm.s32 $0x3280;
	v4 =	vor.u32 v4, v5;
	[sflag:s10] =	ssyncadd.s32 $0xFFFFF000  }
0x170: {  	v5 =	vld.idx.msk [tilespmem:v6+s14+$0x0], $0xffff;
	v6 =	vor.u32 v1, v4  }
0x171: {  	v7 =	vor.u32 s6, v3;
	_ =	sdelay $0x3  }
0x172: {  	[tilespmem:v6+s22+$0x0] =	vst.idx.msk $0xffff, v5  }
0x173: {  	v4 =	vor.u32 v2, v4;
	v5 =	vld.idx.msk [tilespmem:v7+s14+$0x0], $0xffff;
	_ =	sdelay $0x2  }
0x174: {  	s7 =	smov.u32 s12  }
0x175: {  	s29 =	sand.u32 $0x7F, s29;
	s6 =	sadd.s32 s7, s30;
	s30 =	sadd.s32 $0xFFFFFFF5, s5  }
0x176: {  	s12 =	simm.s32 $0x7A1400;
	v6 =	vor.u32 s29, v0;
	[tilespmem:v4+s22+$0x0] =	vst.idx.msk $0xffff, v5;
	v4 =	vmov s30;
	s30 =	simm.s32 $0x5  }
0x177: {  	[tilespmem:s14], [sflag:$0x4] =	stream.strided.gather [hbm4b:s6+s11], $0x1000, s12, s11, $0x38;
	[tilespmem:$0xC280] =	vst v63  }
0x178: {  	v5 =	vshll.u32 v4, $0x3;
	_ =	swait.ge [sflag:s30], $0x1000  }
0x179: {  	v4 =	vand.u32 $0x74, v4;
	v5 =	vand.u32 $0xC00, v5;
	[sflag:s30] =	ssyncset.done $0x0  }
0x17a: {  	s15 =	sand.u32 $0x1FFFFF80, s1;
	s1 =	simm.s32 $0x4280;
	v4 =	vor.u32 v4, v5;
	[sflag:s30] =	ssyncadd.s32 $0xFFFFF000  }
0x17b: {  	v5 =	vld.idx.msk [tilespmem:v6+s1+$0x0], $0xffff;
	v6 =	vor.u32 v1, v4  }
0x17c: {  	v7 =	vor.u32 s29, v3;
	_ =	sdelay $0x3  }
0x17d: {  	[tilespmem:v6+s22+$0x0] =	vst.idx.msk $0xffff, v5  }
0x17e: {  	v4 =	vor.u32 v2, v4;
	v5 =	vld.idx.msk [tilespmem:v7+s1+$0x0], $0xffff;
	_ =	sdelay $0x3  }
0x17f: {  	s29 =	sadd.s32 $0xFFFFFFF6, s5  }
0x180: {  	s6 =	sadd.s32 s7, s28;
	v6 =	vor.u32 s25, v0;
	[tilespmem:v4+s22+$0x0] =	vst.idx.msk $0xffff, v5;
	v4 =	vmov s29;
	s29 =	simm.s32 $0x6  }
0x181: {  	[tilespmem:s1], [sflag:$0x5] =	stream.strided.gather [hbm4b:s6+s11], $0x1000, s12, s11, $0x38;
	[tilespmem:$0xC280] =	vst v63  }
0x182: {  	v5 =	vshll.u32 v4, $0x3;
	_ =	swait.ge [sflag:s29], $0x1000  }
0x183: {  	v4 =	vand.u32 $0x75, v4;
	v5 =	vand.u32 $0xC00, v5;
	[sflag:s29] =	ssyncset.done $0x0  }
0x184: {  	s28 =	simm.s32 $0x5280;
	v4 =	vor.u32 v4, v5;
	[sflag:s29] =	ssyncadd.s32 $0xFFFFF000  }
0x185: {  	v5 =	vld.idx.msk [tilespmem:v6+s28+$0x0], $0xffff;
	v6 =	vor.u32 v1, v4  }
0x186: {  	v7 =	vor.u32 s25, v3;
	_ =	sdelay $0x3  }
0x187: {  	[tilespmem:v6+s22+$0x0] =	vst.idx.msk $0xffff, v5  }
0x188: {  	v4 =	vor.u32 v2, v4;
	v5 =	vld.idx.msk [tilespmem:v7+s28+$0x0], $0xffff;
	_ =	sdelay $0x3  }
0x189: {  	s6 =	sadd.s32 s7, s26;
	s26 =	sadd.s32 $0xFFFFFFF7, s5  }
0x18a: {  	v6 =	vor.u32 s24, v0;
	[tilespmem:v4+s22+$0x0] =	vst.idx.msk $0xffff, v5;
	v4 =	vmov s26;
	s26 =	simm.s32 $0x7  }
0x18b: {  	[tilespmem:s28], [sflag:$0x6] =	stream.strided.gather [hbm4b:s6+s11], $0x1000, s12, s11, $0x38;
	[tilespmem:$0xC280] =	vst v63  }
0x18c: {  	v5 =	vshll.u32 v4, $0x3;
	_ =	swait.ge [sflag:s26], $0x1000  }
0x18d: {  	v4 =	vand.u32 $0x76, v4;
	v5 =	vand.u32 $0xC00, v5;
	[sflag:s26] =	ssyncset.done $0x0  }
0x18e: {  	s25 =	simm.s32 $0x6280;
	v4 =	vor.u32 v4, v5;
	[sflag:s26] =	ssyncadd.s32 $0xFFFFF000  }
0x18f: {  	v5 =	vld.idx.msk [tilespmem:v6+s25+$0x0], $0xffff;
	v6 =	vor.u32 v1, v4  }
0x190: {  	v7 =	vor.u32 s24, v3;
	_ =	sdelay $0x3  }
0x191: {  	[tilespmem:v6+s22+$0x0] =	vst.idx.msk $0xffff, v5  }
0x192: {  	v4 =	vor.u32 v2, v4;
	v5 =	vld.idx.msk [tilespmem:v7+s25+$0x0], $0xffff;
	_ =	sdelay $0x4  }
0x193: {  	s23 =	sadd.s32 s7, s23;
	s24 =	sadd.s32 $0xFFFFFFF8, s5;
	[tilespmem:v4+s22+$0x0] =	vst.idx.msk $0xffff, v5  }
0x194: {  	v6 =	vor.u32 s17, v0;
	[tilespmem:s25], [sflag:$0x7] =	stream.strided.gather [hbm4b:s23+s11], $0x1000, s12, s11, $0x38;
	[tilespmem:$0xC280] =	vst v63  }
0x195: {  	v4 =	vmov s24;
	s23 =	simm.s32 $0x8  }
0x196: {  	v5 =	vshll.u32 v4, $0x3;
	_ =	swait.ge [sflag:s23], $0x1000  }
0x197: {  	v4 =	vand.u32 $0x77, v4;
	v5 =	vand.u32 $0xC00, v5;
	[sflag:s23] =	ssyncset.done $0x0  }
0x198: {  	s6 =	simm.s32 $0x7280;
	v4 =	vor.u32 v4, v5;
	[sflag:s23] =	ssyncadd.s32 $0xFFFFF000  }
0x199: {  	v5 =	vld.idx.msk [tilespmem:v6+s6+$0x0], $0xffff;
	v6 =	vor.u32 v1, v4  }
0x19a: {  	v7 =	vor.u32 s17, v3;
	_ =	sdelay $0x3  }
0x19b: {  	s24 =	simm.s32 $0x7280;
	[tilespmem:v6+s22+$0x0] =	vst.idx.msk $0xffff, v5  }
0x19c: {  	v4 =	vor.u32 v2, v4;
	v5 =	vld.idx.msk [tilespmem:v7+s24+$0x0], $0xffff;
	_ =	sdelay $0x2  }
0x19d: {  	s6 =	rddreg [dreg:$0xd]  }
0x19e: {  	s24 =	rddreg [dreg:$0xc]  }
0x19f: {  	s17 =	simm.s32 $0x7280;
	s0 =	sadd.s32 s7, s6;
	s6 =	sadd.s32 $0xFFFFFFF9, s5;
	v6 =	vor.u32 s24, v0;
	[tilespmem:v4+s22+$0x0] =	vst.idx.msk $0xffff, v5  }
0x1a0: {  	v4 =	vmov s6;
	[tilespmem:s17], [sflag:$0x8] =	stream.strided.gather [hbm4b:s0+s11], $0x1000, s12, s11, $0x38;
	[tilespmem:$0xC280] =	vst v63  }
0x1a1: {  	v5 =	vshll.u32 v4, $0x3;
	_ =	swait.ge [sflag:s9], $0x1000  }
0x1a2: {  	v4 =	vand.u32 $0x78, v4;
	v5 =	vand.u32 $0xC00, v5;
	[sflag:s9] =	ssyncset.done $0x0  }
0x1a3: {  	s3 =	simm.s32 $0x280;
	v4 =	vor.u32 v4, v5;
	[sflag:s9] =	ssyncadd.s32 $0xFFFFF000  }
0x1a4: {  	v5 =	vld.idx.msk [tilespmem:v6+s3+$0x0], $0xffff;
	v6 =	vor.u32 v1, v4  }
0x1a5: {  	v7 =	vor.u32 s24, v3;
	_ =	sdelay $0x3  }
0x1a6: {  	[tilespmem:v6+s22+$0x0] =	vst.idx.msk $0xffff, v5  }
0x1a7: {  	v4 =	vor.u32 v2, v4;
	v5 =	vld.idx.msk [tilespmem:v7+s3+$0x0], $0xffff;
	_ =	sdelay $0x1  }
0x1a8: {  	p1 =	seq.s32 s5, $0x1FF  }
0x1a9: {  	s21 =	simm.s32 @p1 $0x0  }
0x1aa: {  	s17 =	sadd.s32 s7, s21;
	s21 =	rddreg [dreg:$0xb]  }
0x1ab: {  	s24 =	sadd.s32 $0xFFFFFFFA, s5;
	v6 =	vor.u32 s21, v0;
	[tilespmem:v4+s22+$0x0] =	vst.idx.msk $0xffff, v5  }
0x1ac: {  	v4 =	vmov s24;
	[tilespmem:s3], [sflag:$0x1] =	stream.strided.gather [hbm4b:s17+s11], $0x1000, s12, s11, $0x38;
	[tilespmem:$0xC280] =	vst v63  }
0x1ad: {  	v5 =	vshll.u32 v4, $0x3;
	_ =	swait.ge [sflag:s2], $0x1000  }
0x1ae: {  	v4 =	vand.u32 $0x79, v4;
	v5 =	vand.u32 $0xC00, v5;
	[sflag:s2] =	ssyncset.done $0x0  }
0x1af: {  	v4 =	vor.u32 v4, v5;
	[sflag:s2] =	ssyncadd.s32 $0xFFFFF000;
	s2 =	simm.s32 $0x1280  }
0x1b0: {  	v5 =	vld.idx.msk [tilespmem:v6+s2+$0x0], $0xffff;
	v6 =	vor.u32 v1, v4  }
0x1b1: {  	v7 =	vor.u32 s21, v3;
	_ =	sdelay $0x3  }
0x1b2: {  	s3 =	simm.s32 $0x1280;
	[tilespmem:v6+s22+$0x0] =	vst.idx.msk $0xffff, v5  }
0x1b3: {  	v4 =	vor.u32 v2, v4;
	v5 =	vld.idx.msk [tilespmem:v7+s3+$0x0], $0xffff;
	_ =	sdelay $0x3  }
0x1b4: {  	s19 =	simm.s32 @p1 $0x0;
	s9 =	rddreg [dreg:$0xa]  }
0x1b5: {  	s6 =	sadd.s32 s7, s19;
	s19 =	simm.s32 $0x1280;
	s17 =	sadd.s32 $0xFFFFFFFB, s5;
	v6 =	vor.u32 s9, v0;
	[tilespmem:v4+s22+$0x0] =	vst.idx.msk $0xffff, v5  }
0x1b6: {  	v4 =	vmov s17;
	[tilespmem:s19], [sflag:$0x2] =	stream.strided.gather [hbm4b:s6+s11], $0x1000, s12, s11, $0x38;
	[tilespmem:$0xC280] =	vst v63  }
0x1b7: {  	v5 =	vshll.u32 v4, $0x3;
	_ =	swait.ge [sflag:s8], $0x1000  }
0x1b8: {  	v4 =	vand.u32 $0x7A, v4;
	v5 =	vand.u32 $0xC00, v5;
	[sflag:s8] =	ssyncset.done $0x0  }
0x1b9: {  	v4 =	vor.u32 v4, v5;
	[sflag:s8] =	ssyncadd.s32 $0xFFFFF000  }
0x1ba: {  	v5 =	vld.idx.msk [tilespmem:v6+s20+$0x0], $0xffff;
	v6 =	vor.u32 v1, v4  }
0x1bb: {  	v7 =	vor.u32 s9, v3;
	_ =	sdelay $0x3  }
0x1bc: {  	[tilespmem:v6+s22+$0x0] =	vst.idx.msk $0xffff, v5  }
0x1bd: {  	v4 =	vor.u32 v2, v4;
	v5 =	vld.idx.msk [tilespmem:v7+s20+$0x0], $0xffff;
	_ =	sdelay $0x3  }
0x1be: {  	s18 =	simm.s32 @p1 $0x0;
	s24 =	rddreg [dreg:$0x9]  }
0x1bf: {  	s21 =	sadd.s32 s7, s18;
	s3 =	sadd.s32 $0xFFFFFFFC, s5;
	v6 =	vor.u32 s24, v0;
	[tilespmem:v4+s22+$0x0] =	vst.idx.msk $0xffff, v5  }
0x1c0: {  	v4 =	vmov s3;
	[tilespmem:s20], [sflag:$0x3] =	stream.strided.gather [hbm4b:s21+s11], $0x1000, s12, s11, $0x38;
	[tilespmem:$0xC280] =	vst v63  }
0x1c1: {  	v5 =	vshll.u32 v4, $0x3;
	_ =	swait.ge [sflag:s10], $0x1000  }
0x1c2: {  	v4 =	vand.u32 $0x7B, v4;
	v5 =	vand.u32 $0xC00, v5;
	[sflag:s10] =	ssyncset.done $0x0  }
0x1c3: {  	v4 =	vor.u32 v4, v5;
	[sflag:s10] =	ssyncadd.s32 $0xFFFFF000  }
0x1c4: {  	v5 =	vld.idx.msk [tilespmem:v6+s14+$0x0], $0xffff;
	v6 =	vor.u32 v1, v4  }
0x1c5: {  	v7 =	vor.u32 s24, v3;
	_ =	sdelay $0x3  }
0x1c6: {  	[tilespmem:v6+s22+$0x0] =	vst.idx.msk $0xffff, v5  }
0x1c7: {  	v4 =	vor.u32 v2, v4;
	v5 =	vld.idx.msk [tilespmem:v7+s14+$0x0], $0xffff;
	_ =	sdelay $0x3  }
0x1c8: {  	s15 =	simm.s32 @p1 $0x0;
	s10 =	rddreg [dreg:$0x8]  }
0x1c9: {  	s8 =	sadd.s32 s7, s15;
	s15 =	sadd.s32 $0xFFFFFFFD, s5;
	v6 =	vor.u32 s10, v0;
	[tilespmem:v4+s22+$0x0] =	vst.idx.msk $0xffff, v5  }
0x1ca: {  	v4 =	vmov s15;
	[tilespmem:s14], [sflag:$0x4] =	stream.strided.gather [hbm4b:s8+s11], $0x1000, s12, s11, $0x38;
	[tilespmem:$0xC280] =	vst v63  }
0x1cb: {  	v5 =	vshll.u32 v4, $0x3;
	_ =	swait.ge [sflag:s30], $0x1000  }
0x1cc: {  	v4 =	vand.u32 $0x7C, v4;
	v5 =	vand.u32 $0xC00, v5;
	[sflag:s30] =	ssyncset.done $0x0  }
0x1cd: {  	v4 =	vor.u32 v4, v5;
	[sflag:s30] =	ssyncadd.s32 $0xFFFFF000  }
0x1ce: {  	v5 =	vld.idx.msk [tilespmem:v6+s1+$0x0], $0xffff;
	v6 =	vor.u32 v1, v4  }
0x1cf: {  	v7 =	vor.u32 s10, v3;
	_ =	sdelay $0x3  }
0x1d0: {  	[tilespmem:v6+s22+$0x0] =	vst.idx.msk $0xffff, v5  }
0x1d1: {  	v4 =	vor.u32 v2, v4;
	v5 =	vld.idx.msk [tilespmem:v7+s1+$0x0], $0xffff;
	_ =	sdelay $0x3  }
0x1d2: {  	s13 =	simm.s32 @p1 $0x0;
	s18 =	rddreg [dreg:$0x7]  }
0x1d3: {  	s17 =	sadd.s32 s7, s13;
	s20 =	sadd.s32 $0xFFFFFFFE, s5;
	v6 =	vor.u32 s18, v0;
	[tilespmem:v4+s22+$0x0] =	vst.idx.msk $0xffff, v5  }
0x1d4: {  	v4 =	vmov s20;
	[tilespmem:s1], [sflag:$0x5] =	stream.strided.gather [hbm4b:s17+s11], $0x1000, s12, s11, $0x38;
	[tilespmem:$0xC280] =	vst v63  }
0x1d5: {  	v5 =	vshll.u32 v4, $0x3;
	_ =	swait.ge [sflag:s29], $0x1000  }
0x1d6: {  	v4 =	vand.u32 $0x7D, v4;
	v5 =	vand.u32 $0xC00, v5;
	[sflag:s29] =	ssyncset.done $0x0  }
0x1d7: {  	v4 =	vor.u32 v4, v5;
	[sflag:s29] =	ssyncadd.s32 $0xFFFFF000  }
0x1d8: {  	v5 =	vld.idx.msk [tilespmem:v6+s28+$0x0], $0xffff;
	v6 =	vor.u32 v1, v4  }
0x1d9: {  	v7 =	vor.u32 s18, v3;
	_ =	sdelay $0x3  }
0x1da: {  	[tilespmem:v6+s22+$0x0] =	vst.idx.msk $0xffff, v5  }
0x1db: {  	v4 =	vor.u32 v2, v4;
	v5 =	vld.idx.msk [tilespmem:v7+s28+$0x0], $0xffff;
	_ =	sdelay $0x2  }
0x1dc: {  	s31 =	sand.u32 $0x1FFFFF80, s31  }
0x1dd: {  	s31 =	simm.s32 @p1 $0x0;
	s24 =	rddreg [dreg:$0x6]  }
0x1de: {  	s21 =	sadd.s32 s7, s31;
	s29 =	sadd.s32 $0xFFFFFFFF, s5;
	v6 =	vor.u32 s24, v0;
	[tilespmem:v4+s22+$0x0] =	vst.idx.msk $0xffff, v5  }
0x1df: {  	v4 =	vmov s29;
	[tilespmem:s28], [sflag:$0x6] =	stream.strided.gather [hbm4b:s21+s11], $0x1000, s12, s11, $0x38;
	[tilespmem:$0xC280] =	vst v63  }
0x1e0: {  	v5 =	vshll.u32 v4, $0x3;
	_ =	swait.ge [sflag:s26], $0x1000  }
0x1e1: {  	v4 =	vand.u32 $0x7E, v4;
	v5 =	vand.u32 $0xC00, v5;
	[sflag:s26] =	ssyncset.done $0x0  }
0x1e2: {  	v4 =	vor.u32 v4, v5;
	[sflag:s26] =	ssyncadd.s32 $0xFFFFF000  }
0x1e3: {  	v5 =	vld.idx.msk [tilespmem:v6+s25+$0x0], $0xffff;
	v6 =	vor.u32 v1, v4  }
0x1e4: {  	v7 =	vor.u32 s24, v3;
	_ =	sdelay $0x3  }
0x1e5: {  	[tilespmem:v6+s22+$0x0] =	vst.idx.msk $0xffff, v5  }
0x1e6: {  	v4 =	vor.u32 v2, v4;
	v5 =	vld.idx.msk [tilespmem:v7+s25+$0x0], $0xffff;
	_ =	sdelay $0x3  }
0x1e7: {  	s4 =	simm.s32 @p1 $0x0;
	s31 =	rddreg [dreg:$0x5]  }
0x1e8: {  	s30 =	sadd.s32 s7, s4;
	v6 =	vor.u32 s31, v0;
	[tilespmem:v4+s22+$0x0] =	vst.idx.msk $0xffff, v5  }
0x1e9: {  	v4 =	vmov s5;
	[tilespmem:s25], [sflag:$0x7] =	stream.strided.gather [hbm4b:s30+s11], $0x1000, s12, s11, $0x38;
	[tilespmem:$0xC280] =	vst v63  }
0x1ea: {  	v5 =	vshll.u32 v4, $0x3;
	_ =	swait.ge [sflag:s23], $0x1000  }
0x1eb: {  	v4 =	vand.u32 $0x7F, v4;
	v5 =	vand.u32 $0xC00, v5;
	[sflag:s23] =	ssyncset.done $0x0  }
0x1ec: {  	s9 =	simm.s32 $0x7280;
	v5 =	vor.u32 v4, v5;
	[sflag:s23] =	ssyncadd.s32 $0xFFFFF000  }
0x1ed: {  	v4 =	vld.idx.msk [tilespmem:v6+s9+$0x0], $0xffff;
	v6 =	vor.u32 v1, v5  }
0x1ee: {  	p0 =	sne.s32 s16, $0x1FF;
	v7 =	vor.u32 s31, v3  }
.Ltmp0:
0x1ef: {  	_ = 	snop;
	(pc) =	sbr.rel @p0 .LBB2_2-.Ltmp0, $3  }
0x1f0: {  	_ =	sdelay $0x1  }
0x1f1: {  	[tilespmem:v6+s22+$0x0] =	vst.idx.msk $0xffff, v4  }
0x1f2: {  	s16 =	sadd.s32 $0x10, s16;
	v5 =	vor.u32 v2, v5;
	v4 =	vld.idx.msk [tilespmem:v7+s9+$0x0], $0xffff  }
0x1f3: {  	_ =	sdelay $0x3  }
0x1f4: {  	s0 =	simm.s32 $0x1;
	[tilespmem:v5+s22+$0x0] =	vst.idx.msk $0xffff, v4  }
0x1f5: {  	_ =	swait.ge [sflag:s0], $0x1000  }
0x1f6: {  	[sflag:s0] =	ssyncset.done $0x0  }
0x1f7: {  	s10 =	simm.s32 $0x2;
	[sflag:s0] =	ssyncadd.s32 $0xFFFFF000  }
0x1f8: {  	_ =	swait.ge [sflag:s10], $0x1000  }
0x1f9: {  	[sflag:s10] =	ssyncset.done $0x0  }
0x1fa: {  	s13 =	simm.s32 $0x3;
	[sflag:s10] =	ssyncadd.s32 $0xFFFFF000  }
0x1fb: {  	_ =	swait.ge [sflag:s13], $0x1000  }
0x1fc: {  	[sflag:s13] =	ssyncset.done $0x0  }
0x1fd: {  	s14 =	simm.s32 $0x4;
	[sflag:s13] =	ssyncadd.s32 $0xFFFFF000  }
0x1fe: {  	_ =	swait.ge [sflag:s14], $0x1000  }
0x1ff: {  	[sflag:s14] =	ssyncset.done $0x0  }
0x200: {  	s15 =	simm.s32 $0x5;
	[sflag:s14] =	ssyncadd.s32 $0xFFFFF000  }
0x201: {  	_ =	swait.ge [sflag:s15], $0x1000  }
0x202: {  	[sflag:s15] =	ssyncset.done $0x0  }
0x203: {  	s16 =	simm.s32 $0x6;
	[sflag:s15] =	ssyncadd.s32 $0xFFFFF000  }
0x204: {  	_ =	swait.ge [sflag:s16], $0x1000  }
0x205: {  	[sflag:s16] =	ssyncset.done $0x0  }
0x206: {  	s17 =	simm.s32 $0x7;
	[sflag:s16] =	ssyncadd.s32 $0xFFFFF000  }
0x207: {  	_ =	swait.ge [sflag:s17], $0x1000  }
0x208: {  	s6 =	simm.s32 $0x0;
	[sflag:s17] =	ssyncset.done $0x0  }
0x209: {  	s2 =	simm.s32 $0x9;
	s18 =	rddreg [dreg:$0xe];
	[sflag:s17] =	ssyncadd.s32 $0xFFFFF000  }
0x20a: {  	[hbm4b:s18+s6] =	stream.linear.scatter [tilespmem:s22], [sflag:$0x9], $0x1000, $0x38;
	[tilespmem:$0xC280] =	vst v63  }
0x20b: {  	_ =	swait.ge [sflag:s2], $0x1000  }
0x20c: {  	[sflag:s2] =	ssyncset.done $0x0  }
0x20d: {  	s3 =	simm.s32 $0x9280;
	s20 =	rddreg [dreg:$0x10];
	[sflag:s2] =	ssyncadd.s32 $0xFFFFF000  }
0x20e: {  	[hbm4b:s20+s6] =	stream.linear.scatter [tilespmem:s3], [sflag:$0x9], $0x1000, $0x38;
	[tilespmem:$0xC280] =	vst v63  }
0x20f: {  	_ =	swait.ge [sflag:s2], $0x1000  }
0x210: {  	[sflag:s2] =	ssyncset.done $0x0  }
0x211: {  	s23 =	simm.s32 $0xA280;
	s21 =	rddreg [dreg:$0x11];
	[sflag:s2] =	ssyncadd.s32 $0xFFFFF000  }
0x212: {  	[hbm4b:s21+s6] =	stream.linear.scatter [tilespmem:s23], [sflag:$0x9], $0x1000, $0x38;
	[tilespmem:$0xC280] =	vst v63  }
0x213: {  	_ =	swait.ge [sflag:s2], $0x1000  }
0x214: {  	[sflag:s2] =	ssyncset.done $0x0  }
0x215: {  	s26 =	simm.s32 $0xB280;
	s24 =	rddreg [dreg:$0x12];
	[sflag:s2] =	ssyncadd.s32 $0xFFFFF000  }
0x216: {  	[hbm4b:s24+s6] =	stream.linear.scatter [tilespmem:s26], [sflag:$0x9], $0x1000, $0x38;
	[tilespmem:$0xC280] =	vst v63  }
0x217: {  	_ =	swait.ge [sflag:s2], $0x1000  }
0x218: {  	s30 =	rddreg [dreg:$0x14]  }
0x219: {  	s31 =	rddreg [dreg:$0x13];
	s3 =	sadd.s32 $0x1, s30  }
0x21a: {  	p0 =	sne.s32 s3, s31  }
.Ltmp1:
0x21b: {  	_ = 	snop;
	(pc) =	sbr.rel @p0 .LBB2_1-.Ltmp1, $3  }
0x21c: {  	_ =	sdelay $0x1  }
0x21d: {  	[sflag:s2] =	ssyncset.done $0x0  }
0x21e: {  	s29 =	simm.s32 $0x2280;
	s18 =	simm.s32 $0x3280;
	[sflag:s2] =	ssyncadd.s32 $0xFFFFF000  }
0x21f: {  	_ =	sfence.sel $0x180000  }
0x220: {  	[bflag:$0x0] =	sbarrier.arrive $0xFFFF  }
0x221: {  	_ =	strace $0x90000047  }
0x222: {  	s0 =	stileid.u32;
	[bflag:$0x2] =	sbarrier.arrive $0xFFFF  }
0x223: {  	p0 =	sne.s32 s0, $0x0;
	s0 =	rddreg [dreg:$0x3]  }
0x224: {  	s0 =	sadd.s32 @!p0 $0x100000, s0  }
0x225: {  	[sflag:s0] =	ssyncadd.tile.s32 @!p0 $0x1;
	_ =	shalt  }
.Lfunc_end2:
_tile_overlayer_lowered:
.L_overlay_start_2:
0x226: {  	(tag) =	ssettag $0x2  }
0x227: {  	s0 =	rddreg [dreg:$0x0];
	s2 =	stileid.u32  }
0x228: {  	s1 =	rddreg [dreg:$0x1];
	p0 =	sne.s32 s2, $0x0  }
0x229: {  	s3 =	rddreg [dreg:$0x2];
	[bflag:$0x3] =	sbarrier.arrive $0xFFFF;
	s2 =	simm.s32 @!p0 $0x1C09  }
0x22a: {  	[timem:s3], [sflag:s2] =	dma.local @!p0 [hbm:s0], s1  }
0x22b: {  	s0 =	simm.s32 @!p0 $0x9  }
0x22c: {  	_ =	swait.ge @!p0 [sflag:s0], s1  }
0x22d: {  	s1 =	ssub.s32 @!p0 $0x0, s1;
	[sflag:s0] =	ssyncset.done @!p0 $0x0  }
0x22e: {  	[sflag:s0] =	ssyncadd.s32 @!p0 s1  }
0x22f: {  	[bflag:$0x3] =	sbarrier.arrive $0xFFFF  }
0x230: {  	_ =	shalt  }

</sc_bundles>
